<compile_context>
chip_gen: v7x
topology: tpu7x:2x2x1
jax: 0.10.2.dev20260603
libtpu: 0.0.44.dev20260713+nightly
codegen_flags: <defaults>
</compile_context>

<pallas_src>
import jax
import jax.numpy as jnp
from jax import lax
from jax.experimental import pallas as pl
from jax.experimental.pallas import tpu as pltpu
from jax.experimental.pallas import tpu_sc as plsc

NC = 2
NS = 16
NW = NC * NS
CH = 320


def _make_sc_agg(n_nodes, d, n_edges, with_counts):
    epw = n_edges // NW
    iters = epw // CH
    rpt = ((n_nodes + NS - 1) // NS + 7) // 8 * 8
    last = n_nodes - rpt * (NS - 1)
    n_pad = rpt * NS

    assert epw % CH == 0

    out_types = [jax.ShapeDtypeStruct((NC, n_nodes, d), jnp.float32)]
    scratch = [
        pltpu.VMEM((CH,), jnp.int32),
        pltpu.VMEM((CH,), jnp.int32),
        pltpu.VMEM((CH, d), jnp.float32),
        pltpu.VMEM_SHARED((n_pad, d), jnp.float32),
        pltpu.SemaphoreType.DMA,
    ]
    if with_counts:
        out_types.append(jax.ShapeDtypeStruct((NC, n_nodes, d), jnp.float32))

    mesh = plsc.VectorSubcoreMesh(core_axis_name="c", subcore_axis_name="s",
                                  num_cores=NC, num_subcores=NS)

    def body(h_hbm, src_hbm, dst_hbm, zrow_hbm, ones_hbm, *rest):
        if with_counts:
            out_hbm, cnt_hbm, idx_s0, idx_d0, rows0, acc, sem0 = rest
        else:
            out_hbm, idx_s0, idx_d0, rows0, acc, sem0 = rest
        c = lax.axis_index("c")
        s = lax.axis_index("s")
        wid = c * NS + s
        base = wid * epw

        pltpu.sync_copy(zrow_hbm, acc.at[pl.ds(s * rpt, rpt)])
        plsc.subcore_barrier()

        def step(i, carry):
            o = base + i * CH
            pltpu.sync_copy(src_hbm.at[pl.ds(o, CH)], idx_s0)
            pltpu.sync_copy(dst_hbm.at[pl.ds(o, CH)], idx_d0)
            pltpu.async_copy(h_hbm.at[idx_s0], rows0, sem0).wait()
            pltpu.sync_copy(rows0, acc.at[idx_d0], add=True)
            return carry

        lax.fori_loop(0, iters, step, 0)
        plsc.subcore_barrier()

        def writeout(dst_ref):
            @pl.when(s < NS - 1)
            def _full():
                pltpu.sync_copy(acc.at[pl.ds(s * rpt, rpt)],
                                dst_ref.at[c, pl.ds(s * rpt, rpt)])

            @pl.when(s == NS - 1)
            def _tail():
                pltpu.sync_copy(acc.at[pl.ds((NS - 1) * rpt, last)],
                                dst_ref.at[c, pl.ds((NS - 1) * rpt, last)])

        writeout(out_hbm)

        if with_counts:
            pltpu.sync_copy(zrow_hbm, acc.at[pl.ds(s * rpt, rpt)])
            pltpu.sync_copy(ones_hbm, rows0)
            plsc.subcore_barrier()

            def step_c(i, carry):
                o = base + i * CH
                pltpu.sync_copy(dst_hbm.at[pl.ds(o, CH)], idx_d0)
                pltpu.sync_copy(rows0, acc.at[idx_d0], add=True)
                return carry

            lax.fori_loop(0, iters, step_c, 0)
            plsc.subcore_barrier()
            writeout(cnt_hbm)

    return pl.kernel(body, out_type=tuple(out_types), mesh=mesh,
                     scratch_types=scratch)


def _dense_body(p_ref, c_ref, h_ref, wl_ref, wr_ref, b_ref, o_ref):
    cnt = c_ref[0, :, 0:1] + c_ref[1, :, 0:1]
    sm = p_ref[0] + p_ref[1]
    mean = sm / jnp.maximum(cnt, 1.0)
    acc = jnp.dot(mean, wl_ref[...], preferred_element_type=jnp.float32)
    acc = acc + jnp.dot(h_ref[...], wr_ref[...], preferred_element_type=jnp.float32)
    o_ref[...] = jnp.maximum(acc + b_ref[...], 0.0)


def _dense(p, cnt, h, wl_t, wr_t, b):
    n, d = h.shape
    bn = 1000
    return pl.pallas_call(
        _dense_body,
        grid=(n // bn,),
        in_specs=[
            pl.BlockSpec((NC, bn, d), lambda i: (0, i, 0)),
            pl.BlockSpec((NC, bn, d), lambda i: (0, i, 0)),
            pl.BlockSpec((bn, d), lambda i: (i, 0)),
            pl.BlockSpec((d, d), lambda i: (0, 0)),
            pl.BlockSpec((d, d), lambda i: (0, 0)),
            pl.BlockSpec((1, d), lambda i: (0, 0)),
        ],
        out_specs=pl.BlockSpec((bn, d), lambda i: (i, 0)),
        out_shape=jax.ShapeDtypeStruct((n, d), jnp.float32),
    )(p, cnt, h, wl_t, wr_t, b)


def kernel(x, edge_index, W1_l, b1_l, W1_r, W2_l, b2_l, W2_r):
    n, d = x.shape
    e = edge_index.shape[1]
    rpt = ((n + NS - 1) // NS + 7) // 8 * 8
    n_pad = rpt * NS
    zrow = jnp.zeros((rpt, d), jnp.float32)
    ones = jnp.ones((CH, d), jnp.float32)

    step = NW * 2 * CH
    e_pad = (e + step - 1) // step * step
    src = jnp.concatenate([edge_index[0],
                           jnp.zeros((e_pad - e,), jnp.int32)])
    dst = jnp.concatenate([edge_index[1],
                           n + jnp.arange(e_pad - e, dtype=jnp.int32)
                           % (n_pad - n)])

    agg1 = _make_sc_agg(n, d, e_pad, True)
    agg2 = _make_sc_agg(n, d, e_pad, False)

    p1, cnt = agg1(x, src, dst, zrow, ones)
    h1 = _dense(p1, cnt, x, W1_l.T, W1_r.T, b1_l[None, :])
    p2 = agg2(h1, src, dst, zrow, ones)
    if isinstance(p2, (tuple, list)):
        p2 = p2[0]
    h2 = _dense(p2, cnt, h1, W2_l.T, W2_r.T, b2_l[None, :])
    return h2

# --- scband reference (transcript-rebuilt; emitter-appended) ---
"""Pipeline reference for scband-sageencoder-87986700026316 (READ-ONLY COPY).

The authoritative reference and input builder live on the scoring server;
editing this copy changes nothing except your own understanding.
"""

import jax, jax.numpy as jnp
import numpy as np

N_NODES = 10000
N_EDGES = 320000
D_IN = 128
D_HID = 128


def setup_inputs(seed: int = 0) -> dict:
    key = jax.random.key(seed)
    ks = jax.random.split(key, 8)
    x = jax.random.normal(ks[0], (N_NODES, D_IN), dtype=jnp.float32)
    edge_index = jax.random.randint(ks[1], (2, N_EDGES), 0, N_NODES, dtype=jnp.int64 if jax.config.jax_enable_x64 else jnp.int32).astype(jnp.int32)
    s1 = 1.0 / np.sqrt(D_IN)
    s2 = 1.0 / np.sqrt(D_HID)
    W1_l = jax.random.uniform(ks[2], (D_HID, D_IN), minval=-s1, maxval=s1, dtype=jnp.float32)
    b1_l = jnp.zeros((D_HID,), dtype=jnp.float32)
    W1_r = jax.random.uniform(ks[3], (D_HID, D_IN), minval=-s1, maxval=s1, dtype=jnp.float32)
    W2_l = jax.random.uniform(ks[4], (D_HID, D_HID), minval=-s2, maxval=s2, dtype=jnp.float32)
    b2_l = jnp.zeros((D_HID,), dtype=jnp.float32)
    W2_r = jax.random.uniform(ks[5], (D_HID, D_HID), minval=-s2, maxval=s2, dtype=jnp.float32)
    return {"x": x, "edge_index": edge_index, "W1_l": W1_l, "b1_l": b1_l, "W1_r": W1_r, "W2_l": W2_l, "b2_l": b2_l, "W2_r": W2_r}


def _sage_conv(h, edge_index, W_l, b_l, W_r):
    # PyG-style SAGEConv with mean aggregation:
    #   out = lin_l(mean_{j in N(i)} h_j) + lin_r(h_i)
    src = edge_index[0]
    dst = edge_index[1]
    msgs = jnp.take(h, src, axis=0)                      # gather [E, d]
    summed = jax.ops.segment_sum(msgs, dst, num_segments=h.shape[0])  # scatter-add
    counts = jax.ops.segment_sum(jnp.ones((src.shape[0],), dtype=h.dtype), dst, num_segments=h.shape[0])
    mean = summed / jnp.clip(counts, 1.0, None)[:, None]
    return mean @ W_l.T + b_l + h @ W_r.T


def reference(x, edge_index, W1_l, b1_l, W1_r, W2_l, b2_l, W2_r):
    # dropout is identity in eval/inference mode
    h = jax.nn.relu(_sage_conv(x, edge_index, W1_l, b1_l, W1_r))
    h = jax.nn.relu(_sage_conv(h, edge_index, W2_l, b2_l, W2_r))
    return h

if __name__ == "__main__":
    import jax
    _d = setup_inputs()
    print(jax.jit(kernel)(*tuple(_d.values())))

</pallas_src>

<mosaic_0001>
#map = affine_map<(d0, d1) -> (0, 0)>
#map1 = affine_map<(d0, d1) -> (0)>
#map2 = affine_map<(d0, d1) -> (0, 0, 0)>
module attributes {stable_mosaic.version = 14 : i64} {
  func.func @body(%arg0: i32, %arg1: i32, %arg2: memref<10000x128xf32, #tpu.memory_space<hbm>>, %arg3: memref<327680xi32, #tpu.memory_space<hbm>>, %arg4: memref<327680xi32, #tpu.memory_space<hbm>>, %arg5: memref<632x128xf32, #tpu.memory_space<hbm>>, %arg6: memref<320x128xf32, #tpu.memory_space<hbm>>, %arg7: memref<2x10000x128xf32, #tpu.memory_space<hbm>>, %arg8: memref<2x10000x128xf32, #tpu.memory_space<hbm>>, %arg9: memref<320xi32, #tpu.memory_space<vmem>>, %arg10: memref<320xi32, #tpu.memory_space<vmem>>, %arg11: memref<320x128xf32, #tpu.memory_space<vmem>>, %arg12: memref<10112x128xf32, #tpu.memory_space<vmem_shared>>, %arg13: memref<!tpu.dma_semaphore, #tpu.memory_space<semaphore_mem>>) attributes {dimension_semantics = [#tpu.dimension_semantics<core_parallel>, #tpu.dimension_semantics<subcore_parallel>], iteration_bounds = array<i64: 2, 16>, scalar_prefetch = 0 : i64, scratch_operands = 5 : i64, tpu.core_type = #tpu.core_type<sc_vector_subcore>, window_params = [{transform_indices = #map}, {transform_indices = #map1}, {transform_indices = #map1}, {transform_indices = #map}, {transform_indices = #map}, {transform_indices = #map2}, {transform_indices = #map2}]} {
    %mul3A = arith.constant 16 : i32
    %mul3A_0 = arith.muli %arg0, %mul3A : i32
    %add3A = arith.addi %mul3A_0, %arg1 : i32
    %mul3A_1 = arith.constant 10240 : i32
    %mul3A_2 = arith.muli %add3A, %mul3A_1 : i32
    %mul3A_3 = arith.constant 632 : i32
    %mul3A_4 = arith.muli %arg1, %mul3A_3 : i32
    "tpu.region"() ({
      %run_scoped3A = tpu.sem_alloc : memref<!tpu.dma_semaphore, #tpu.memory_space<semaphore_mem>>
      %dma_start3A = arith.constant 0 : i32
      %dma_start3A_37 = tpu.memref_slice %arg12[%mul3A_4, %dma_start3A] : memref<10112x128xf32, #tpu.memory_space<vmem_shared>> -> memref<632x128xf32, #tpu.memory_space<vmem_shared>>
      tpu.enqueue_dma source(%arg5 : memref<632x128xf32, #tpu.memory_space<hbm>>) target(%dma_start3A_37 : memref<632x128xf32, #tpu.memory_space<vmem_shared>>) target_semaphore(%run_scoped3A : memref<!tpu.dma_semaphore, #tpu.memory_space<semaphore_mem>>)
      %dma_wait3A = arith.constant 0 : i32
      %dma_wait3A_38 = tpu.memref_slice %arg12[%mul3A_4, %dma_wait3A] : memref<10112x128xf32, #tpu.memory_space<vmem_shared>> -> memref<632x128xf32, #tpu.memory_space<vmem_shared>>
      tpu.wait_dma2 semaphore(%run_scoped3A : memref<!tpu.dma_semaphore, #tpu.memory_space<semaphore_mem>>) src(%arg5 : memref<632x128xf32, #tpu.memory_space<hbm>>) dst(%dma_wait3A_38 : memref<632x128xf32, #tpu.memory_space<vmem_shared>>)
      tpu.yield
    }) : () -> ()
    %barrier3A = arith.constant 0 : index
    tpu.barrier barrier_id(%barrier3A)
    %scan3A = arith.constant 0 : i32
    %scan3A_5 = arith.constant 0 : i32
    %scan3A_6 = arith.constant 32 : i32
    %scan3A_7 = arith.addi %scan3A_5, %scan3A_6 : i32
    %scan3A_8 = arith.constant 1 : i32
    scf.for %scan3A_37 = %scan3A_5 to %scan3A_7 step %scan3A_8  : i32 {
      %mul3A_38 = arith.constant 320 : i32
      %mul3A_39 = arith.muli %scan3A_37, %mul3A_38 : i32
      %add3A_40 = arith.addi %mul3A_2, %mul3A_39 : i32
      "tpu.region"() ({
        %run_scoped3A = tpu.sem_alloc : memref<!tpu.dma_semaphore, #tpu.memory_space<semaphore_mem>>
        %dma_start3A_45 = tpu.memref_slice %arg3[%add3A_40] : memref<327680xi32, #tpu.memory_space<hbm>> -> memref<320xi32, #tpu.memory_space<hbm>>
        %dma_start3A_46 = tpu.memref_slice %arg3[%add3A_40] : memref<327680xi32, #tpu.memory_space<hbm>> -> memref<320xi32, #tpu.memory_space<hbm>>
        tpu.enqueue_dma source(%dma_start3A_46 : memref<320xi32, #tpu.memory_space<hbm>>) target(%arg9 : memref<320xi32, #tpu.memory_space<vmem>>) target_semaphore(%run_scoped3A : memref<!tpu.dma_semaphore, #tpu.memory_space<semaphore_mem>>)
        %dma_wait3A_47 = tpu.memref_slice %arg3[%add3A_40] : memref<327680xi32, #tpu.memory_space<hbm>> -> memref<320xi32, #tpu.memory_space<hbm>>
        %dma_wait3A_48 = tpu.memref_slice %arg3[%add3A_40] : memref<327680xi32, #tpu.memory_space<hbm>> -> memref<320xi32, #tpu.memory_space<hbm>>
        tpu.wait_dma2 semaphore(%run_scoped3A : memref<!tpu.dma_semaphore, #tpu.memory_space<semaphore_mem>>) src(%dma_wait3A_48 : memref<320xi32, #tpu.memory_space<hbm>>) dst(%arg9 : memref<320xi32, #tpu.memory_space<vmem>>)
        tpu.yield
      }) : () -> ()
      "tpu.region"() ({
        %run_scoped3A = tpu.sem_alloc : memref<!tpu.dma_semaphore, #tpu.memory_space<semaphore_mem>>
        %dma_start3A_45 = tpu.memref_slice %arg4[%add3A_40] : memref<327680xi32, #tpu.memory_space<hbm>> -> memref<320xi32, #tpu.memory_space<hbm>>
        %dma_start3A_46 = tpu.memref_slice %arg4[%add3A_40] : memref<327680xi32, #tpu.memory_space<hbm>> -> memref<320xi32, #tpu.memory_space<hbm>>
        tpu.enqueue_dma source(%dma_start3A_46 : memref<320xi32, #tpu.memory_space<hbm>>) target(%arg10 : memref<320xi32, #tpu.memory_space<vmem>>) target_semaphore(%run_scoped3A : memref<!tpu.dma_semaphore, #tpu.memory_space<semaphore_mem>>)
        %dma_wait3A_47 = tpu.memref_slice %arg4[%add3A_40] : memref<327680xi32, #tpu.memory_space<hbm>> -> memref<320xi32, #tpu.memory_space<hbm>>
        %dma_wait3A_48 = tpu.memref_slice %arg4[%add3A_40] : memref<327680xi32, #tpu.memory_space<hbm>> -> memref<320xi32, #tpu.memory_space<hbm>>
        tpu.wait_dma2 semaphore(%run_scoped3A : memref<!tpu.dma_semaphore, #tpu.memory_space<semaphore_mem>>) src(%dma_wait3A_48 : memref<320xi32, #tpu.memory_space<hbm>>) dst(%arg10 : memref<320xi32, #tpu.memory_space<vmem>>)
        tpu.yield
      }) : () -> ()
      %dma_start3A = arith.constant 0 : i32
      %dma_start3A_41 = arith.constant 0 : i32
      %dma_start3A_42 = tpu.memref_slice %arg2[%dma_start3A, %dma_start3A_41] : memref<10000x128xf32, #tpu.memory_space<hbm>> -> memref<10000x128xf32, #tpu.memory_space<hbm>>
      tpu.enqueue_indirect_dma source(%dma_start3A_42 : memref<10000x128xf32, #tpu.memory_space<hbm>>) target(%arg11 : memref<320x128xf32, #tpu.memory_space<vmem>>) offsets(%arg9 : memref<320xi32, #tpu.memory_space<vmem>>) semaphore(%arg13 : memref<!tpu.dma_semaphore, #tpu.memory_space<semaphore_mem>>)
      %dma_wait3A = arith.constant 0 : i32
      %dma_wait3A_43 = arith.constant 0 : i32
      %dma_wait3A_44 = tpu.memref_slice %arg2[%dma_wait3A, %dma_wait3A_43] : memref<10000x128xf32, #tpu.memory_space<hbm>> -> memref<10000x128xf32, #tpu.memory_space<hbm>>
      tpu.wait_indirect_dma semaphore(%arg13 : memref<!tpu.dma_semaphore, #tpu.memory_space<semaphore_mem>>) src(%dma_wait3A_44 : memref<10000x128xf32, #tpu.memory_space<hbm>>) dst(%arg11 : memref<320x128xf32, #tpu.memory_space<vmem>>)
      "tpu.region"() ({
        %run_scoped3A = tpu.sem_alloc : memref<!tpu.dma_semaphore, #tpu.memory_space<semaphore_mem>>
        %dma_start3A_45 = arith.constant 0 : i32
        %dma_start3A_46 = arith.constant 0 : i32
        %dma_start3A_47 = tpu.memref_slice %arg12[%dma_start3A_45, %dma_start3A_46] : memref<10112x128xf32, #tpu.memory_space<vmem_shared>> -> memref<10112x128xf32, #tpu.memory_space<vmem_shared>>
        tpu.enqueue_indirect_dma source(%arg11 : memref<320x128xf32, #tpu.memory_space<vmem>>) target(%dma_start3A_47 : memref<10112x128xf32, #tpu.memory_space<vmem_shared>>) offsets(%arg10 : memref<320xi32, #tpu.memory_space<vmem>>) semaphore(%run_scoped3A : memref<!tpu.dma_semaphore, #tpu.memory_space<semaphore_mem>>) {add = true}
        %dma_wait3A_48 = arith.constant 0 : i32
        %dma_wait3A_49 = arith.constant 0 : i32
        %dma_wait3A_50 = tpu.memref_slice %arg12[%dma_wait3A_48, %dma_wait3A_49] : memref<10112x128xf32, #tpu.memory_space<vmem_shared>> -> memref<10112x128xf32, #tpu.memory_space<vmem_shared>>
        tpu.wait_indirect_dma semaphore(%run_scoped3A : memref<!tpu.dma_semaphore, #tpu.memory_space<semaphore_mem>>) src(%arg11 : memref<320x128xf32, #tpu.memory_space<vmem>>) dst(%dma_wait3A_50 : memref<10112x128xf32, #tpu.memory_space<vmem_shared>>)
        tpu.yield
      }) : () -> ()
    }
    %scan3A_9 = arith.constant 32 : i32
    %barrier3A_10 = arith.constant 0 : index
    tpu.barrier barrier_id(%barrier3A_10)
    %lt3A = arith.constant 15 : i32
    %lt3A_11 = arith.cmpi slt, %arg1, %lt3A : i32
    %convert_element_type3A = arith.extui %lt3A_11 : i1 to i32
    %cond3A = arith.constant 0 : i32
    %cond3A_12 = arith.cmpi ne, %convert_element_type3A, %cond3A : i32
    scf.if %cond3A_12 {
      %mul3A_37 = arith.constant 632 : i32
      %mul3A_38 = arith.muli %arg1, %mul3A_37 : i32
      %mul3A_39 = arith.constant 632 : i32
      %mul3A_40 = arith.muli %arg1, %mul3A_39 : i32
      "tpu.region"() ({
        %run_scoped3A = tpu.sem_alloc : memref<!tpu.dma_semaphore, #tpu.memory_space<semaphore_mem>>
        %dma_start3A = arith.constant 0 : i32
        %dma_start3A_41 = tpu.memref_slice %arg7[%arg0, %mul3A_40, %dma_start3A] : memref<2x10000x128xf32, #tpu.memory_space<hbm>> -> memref<1x632x128xf32, #tpu.memory_space<hbm>>
        %dma_start3A_42 = tpu.memref_squeeze %dma_start3A_41 : memref<1x632x128xf32, #tpu.memory_space<hbm>> -> memref<632x128xf32, #tpu.memory_space<hbm>>
        %dma_start3A_43 = arith.constant 0 : i32
        %dma_start3A_44 = tpu.memref_slice %arg12[%mul3A_38, %dma_start3A_43] : memref<10112x128xf32, #tpu.memory_space<vmem_shared>> -> memref<632x128xf32, #tpu.memory_space<vmem_shared>>
        tpu.enqueue_dma source(%dma_start3A_44 : memref<632x128xf32, #tpu.memory_space<vmem_shared>>) target(%dma_start3A_42 : memref<632x128xf32, #tpu.memory_space<hbm>>) target_semaphore(%run_scoped3A : memref<!tpu.dma_semaphore, #tpu.memory_space<semaphore_mem>>)
        %dma_wait3A = arith.constant 0 : i32
        %dma_wait3A_45 = tpu.memref_slice %arg7[%arg0, %mul3A_40, %dma_wait3A] : memref<2x10000x128xf32, #tpu.memory_space<hbm>> -> memref<1x632x128xf32, #tpu.memory_space<hbm>>
        %dma_wait3A_46 = tpu.memref_squeeze %dma_wait3A_45 : memref<1x632x128xf32, #tpu.memory_space<hbm>> -> memref<632x128xf32, #tpu.memory_space<hbm>>
        %dma_wait3A_47 = arith.constant 0 : i32
        %dma_wait3A_48 = tpu.memref_slice %arg12[%mul3A_38, %dma_wait3A_47] : memref<10112x128xf32, #tpu.memory_space<vmem_shared>> -> memref<632x128xf32, #tpu.memory_space<vmem_shared>>
        tpu.wait_dma2 semaphore(%run_scoped3A : memref<!tpu.dma_semaphore, #tpu.memory_space<semaphore_mem>>) src(%dma_wait3A_48 : memref<632x128xf32, #tpu.memory_space<vmem_shared>>) dst(%dma_wait3A_46 : memref<632x128xf32, #tpu.memory_space<hbm>>)
        tpu.yield
      }) : () -> ()
    } else {
    }
    %eq3A = arith.constant 15 : i32
    %eq3A_13 = arith.cmpi eq, %arg1, %eq3A : i32
    %convert_element_type3A_14 = arith.extui %eq3A_13 : i1 to i32
    %cond3A_15 = arith.constant 0 : i32
    %cond3A_16 = arith.cmpi ne, %convert_element_type3A_14, %cond3A_15 : i32
    scf.if %cond3A_16 {
      "tpu.region"() ({
        %run_scoped3A = tpu.sem_alloc : memref<!tpu.dma_semaphore, #tpu.memory_space<semaphore_mem>>
        %dma_start3A = arith.constant 9480 : i32
        %dma_start3A_37 = arith.constant 0 : i32
        %dma_start3A_38 = tpu.memref_slice %arg7[%arg0, %dma_start3A, %dma_start3A_37] : memref<2x10000x128xf32, #tpu.memory_space<hbm>> -> memref<1x520x128xf32, #tpu.memory_space<hbm>>
        %dma_start3A_39 = tpu.memref_squeeze %dma_start3A_38 : memref<1x520x128xf32, #tpu.memory_space<hbm>> -> memref<520x128xf32, #tpu.memory_space<hbm>>
        %dma_start3A_40 = arith.constant 9480 : i32
        %dma_start3A_41 = arith.constant 0 : i32
        %dma_start3A_42 = tpu.memref_slice %arg12[%dma_start3A_40, %dma_start3A_41] : memref<10112x128xf32, #tpu.memory_space<vmem_shared>> -> memref<520x128xf32, #tpu.memory_space<vmem_shared>>
        tpu.enqueue_dma source(%dma_start3A_42 : memref<520x128xf32, #tpu.memory_space<vmem_shared>>) target(%dma_start3A_39 : memref<520x128xf32, #tpu.memory_space<hbm>>) target_semaphore(%run_scoped3A : memref<!tpu.dma_semaphore, #tpu.memory_space<semaphore_mem>>)
        %dma_wait3A = arith.constant 9480 : i32
        %dma_wait3A_43 = arith.constant 0 : i32
        %dma_wait3A_44 = tpu.memref_slice %arg7[%arg0, %dma_wait3A, %dma_wait3A_43] : memref<2x10000x128xf32, #tpu.memory_space<hbm>> -> memref<1x520x128xf32, #tpu.memory_space<hbm>>
        %dma_wait3A_45 = tpu.memref_squeeze %dma_wait3A_44 : memref<1x520x128xf32, #tpu.memory_space<hbm>> -> memref<520x128xf32, #tpu.memory_space<hbm>>
        %dma_wait3A_46 = arith.constant 9480 : i32
        %dma_wait3A_47 = arith.constant 0 : i32
        %dma_wait3A_48 = tpu.memref_slice %arg12[%dma_wait3A_46, %dma_wait3A_47] : memref<10112x128xf32, #tpu.memory_space<vmem_shared>> -> memref<520x128xf32, #tpu.memory_space<vmem_shared>>
        tpu.wait_dma2 semaphore(%run_scoped3A : memref<!tpu.dma_semaphore, #tpu.memory_space<semaphore_mem>>) src(%dma_wait3A_48 : memref<520x128xf32, #tpu.memory_space<vmem_shared>>) dst(%dma_wait3A_45 : memref<520x128xf32, #tpu.memory_space<hbm>>)
        tpu.yield
      }) : () -> ()
    } else {
    }
    %mul3A_17 = arith.constant 632 : i32
    %mul3A_18 = arith.muli %arg1, %mul3A_17 : i32
    "tpu.region"() ({
      %run_scoped3A = tpu.sem_alloc : memref<!tpu.dma_semaphore, #tpu.memory_space<semaphore_mem>>
      %dma_start3A = arith.constant 0 : i32
      %dma_start3A_37 = tpu.memref_slice %arg12[%mul3A_18, %dma_start3A] : memref<10112x128xf32, #tpu.memory_space<vmem_shared>> -> memref<632x128xf32, #tpu.memory_space<vmem_shared>>
      tpu.enqueue_dma source(%arg5 : memref<632x128xf32, #tpu.memory_space<hbm>>) target(%dma_start3A_37 : memref<632x128xf32, #tpu.memory_space<vmem_shared>>) target_semaphore(%run_scoped3A : memref<!tpu.dma_semaphore, #tpu.memory_space<semaphore_mem>>)
      %dma_wait3A = arith.constant 0 : i32
      %dma_wait3A_38 = tpu.memref_slice %arg12[%mul3A_18, %dma_wait3A] : memref<10112x128xf32, #tpu.memory_space<vmem_shared>> -> memref<632x128xf32, #tpu.memory_space<vmem_shared>>
      tpu.wait_dma2 semaphore(%run_scoped3A : memref<!tpu.dma_semaphore, #tpu.memory_space<semaphore_mem>>) src(%arg5 : memref<632x128xf32, #tpu.memory_space<hbm>>) dst(%dma_wait3A_38 : memref<632x128xf32, #tpu.memory_space<vmem_shared>>)
      tpu.yield
    }) : () -> ()
    "tpu.region"() ({
      %run_scoped3A = tpu.sem_alloc : memref<!tpu.dma_semaphore, #tpu.memory_space<semaphore_mem>>
      tpu.enqueue_dma source(%arg6 : memref<320x128xf32, #tpu.memory_space<hbm>>) target(%arg11 : memref<320x128xf32, #tpu.memory_space<vmem>>) target_semaphore(%run_scoped3A : memref<!tpu.dma_semaphore, #tpu.memory_space<semaphore_mem>>)
      tpu.wait_dma2 semaphore(%run_scoped3A : memref<!tpu.dma_semaphore, #tpu.memory_space<semaphore_mem>>) src(%arg6 : memref<320x128xf32, #tpu.memory_space<hbm>>) dst(%arg11 : memref<320x128xf32, #tpu.memory_space<vmem>>)
      tpu.yield
    }) : () -> ()
    %barrier3A_19 = arith.constant 0 : index
    tpu.barrier barrier_id(%barrier3A_19)
    %scan3A_20 = arith.constant 0 : i32
    %scan3A_21 = arith.constant 0 : i32
    %scan3A_22 = arith.constant 32 : i32
    %scan3A_23 = arith.addi %scan3A_21, %scan3A_22 : i32
    %scan3A_24 = arith.constant 1 : i32
    scf.for %scan3A_37 = %scan3A_21 to %scan3A_23 step %scan3A_24  : i32 {
      %mul3A_38 = arith.constant 320 : i32
      %mul3A_39 = arith.muli %scan3A_37, %mul3A_38 : i32
      %add3A_40 = arith.addi %mul3A_2, %mul3A_39 : i32
      "tpu.region"() ({
        %run_scoped3A = tpu.sem_alloc : memref<!tpu.dma_semaphore, #tpu.memory_space<semaphore_mem>>
        %dma_start3A = tpu.memref_slice %arg4[%add3A_40] : memref<327680xi32, #tpu.memory_space<hbm>> -> memref<320xi32, #tpu.memory_space<hbm>>
        %dma_start3A_41 = tpu.memref_slice %arg4[%add3A_40] : memref<327680xi32, #tpu.memory_space<hbm>> -> memref<320xi32, #tpu.memory_space<hbm>>
        tpu.enqueue_dma source(%dma_start3A_41 : memref<320xi32, #tpu.memory_space<hbm>>) target(%arg10 : memref<320xi32, #tpu.memory_space<vmem>>) target_semaphore(%run_scoped3A : memref<!tpu.dma_semaphore, #tpu.memory_space<semaphore_mem>>)
        %dma_wait3A = tpu.memref_slice %arg4[%add3A_40] : memref<327680xi32, #tpu.memory_space<hbm>> -> memref<320xi32, #tpu.memory_space<hbm>>
        %dma_wait3A_42 = tpu.memref_slice %arg4[%add3A_40] : memref<327680xi32, #tpu.memory_space<hbm>> -> memref<320xi32, #tpu.memory_space<hbm>>
        tpu.wait_dma2 semaphore(%run_scoped3A : memref<!tpu.dma_semaphore, #tpu.memory_space<semaphore_mem>>) src(%dma_wait3A_42 : memref<320xi32, #tpu.memory_space<hbm>>) dst(%arg10 : memref<320xi32, #tpu.memory_space<vmem>>)
        tpu.yield
      }) : () -> ()
      "tpu.region"() ({
        %run_scoped3A = tpu.sem_alloc : memref<!tpu.dma_semaphore, #tpu.memory_space<semaphore_mem>>
        %dma_start3A = arith.constant 0 : i32
        %dma_start3A_41 = arith.constant 0 : i32
        %dma_start3A_42 = tpu.memref_slice %arg12[%dma_start3A, %dma_start3A_41] : memref<10112x128xf32, #tpu.memory_space<vmem_shared>> -> memref<10112x128xf32, #tpu.memory_space<vmem_shared>>
        tpu.enqueue_indirect_dma source(%arg11 : memref<320x128xf32, #tpu.memory_space<vmem>>) target(%dma_start3A_42 : memref<10112x128xf32, #tpu.memory_space<vmem_shared>>) offsets(%arg10 : memref<320xi32, #tpu.memory_space<vmem>>) semaphore(%run_scoped3A : memref<!tpu.dma_semaphore, #tpu.memory_space<semaphore_mem>>) {add = true}
        %dma_wait3A = arith.constant 0 : i32
        %dma_wait3A_43 = arith.constant 0 : i32
        %dma_wait3A_44 = tpu.memref_slice %arg12[%dma_wait3A, %dma_wait3A_43] : memref<10112x128xf32, #tpu.memory_space<vmem_shared>> -> memref<10112x128xf32, #tpu.memory_space<vmem_shared>>
        tpu.wait_indirect_dma semaphore(%run_scoped3A : memref<!tpu.dma_semaphore, #tpu.memory_space<semaphore_mem>>) src(%arg11 : memref<320x128xf32, #tpu.memory_space<vmem>>) dst(%dma_wait3A_44 : memref<10112x128xf32, #tpu.memory_space<vmem_shared>>)
        tpu.yield
      }) : () -> ()
    }
    %scan3A_25 = arith.constant 32 : i32
    %barrier3A_26 = arith.constant 0 : index
    tpu.barrier barrier_id(%barrier3A_26)
    %lt3A_27 = arith.constant 15 : i32
    %lt3A_28 = arith.cmpi slt, %arg1, %lt3A_27 : i32
    %convert_element_type3A_29 = arith.extui %lt3A_28 : i1 to i32
    %cond3A_30 = arith.constant 0 : i32
    %cond3A_31 = arith.cmpi ne, %convert_element_type3A_29, %cond3A_30 : i32
    scf.if %cond3A_31 {
      %mul3A_37 = arith.constant 632 : i32
      %mul3A_38 = arith.muli %arg1, %mul3A_37 : i32
      %mul3A_39 = arith.constant 632 : i32
      %mul3A_40 = arith.muli %arg1, %mul3A_39 : i32
      "tpu.region"() ({
        %run_scoped3A = tpu.sem_alloc : memref<!tpu.dma_semaphore, #tpu.memory_space<semaphore_mem>>
        %dma_start3A = arith.constant 0 : i32
        %dma_start3A_41 = tpu.memref_slice %arg8[%arg0, %mul3A_40, %dma_start3A] : memref<2x10000x128xf32, #tpu.memory_space<hbm>> -> memref<1x632x128xf32, #tpu.memory_space<hbm>>
        %dma_start3A_42 = tpu.memref_squeeze %dma_start3A_41 : memref<1x632x128xf32, #tpu.memory_space<hbm>> -> memref<632x128xf32, #tpu.memory_space<hbm>>
        %dma_start3A_43 = arith.constant 0 : i32
        %dma_start3A_44 = tpu.memref_slice %arg12[%mul3A_38, %dma_start3A_43] : memref<10112x128xf32, #tpu.memory_space<vmem_shared>> -> memref<632x128xf32, #tpu.memory_space<vmem_shared>>
        tpu.enqueue_dma source(%dma_start3A_44 : memref<632x128xf32, #tpu.memory_space<vmem_shared>>) target(%dma_start3A_42 : memref<632x128xf32, #tpu.memory_space<hbm>>) target_semaphore(%run_scoped3A : memref<!tpu.dma_semaphore, #tpu.memory_space<semaphore_mem>>)
        %dma_wait3A = arith.constant 0 : i32
        %dma_wait3A_45 = tpu.memref_slice %arg8[%arg0, %mul3A_40, %dma_wait3A] : memref<2x10000x128xf32, #tpu.memory_space<hbm>> -> memref<1x632x128xf32, #tpu.memory_space<hbm>>
        %dma_wait3A_46 = tpu.memref_squeeze %dma_wait3A_45 : memref<1x632x128xf32, #tpu.memory_space<hbm>> -> memref<632x128xf32, #tpu.memory_space<hbm>>
        %dma_wait3A_47 = arith.constant 0 : i32
        %dma_wait3A_48 = tpu.memref_slice %arg12[%mul3A_38, %dma_wait3A_47] : memref<10112x128xf32, #tpu.memory_space<vmem_shared>> -> memref<632x128xf32, #tpu.memory_space<vmem_shared>>
        tpu.wait_dma2 semaphore(%run_scoped3A : memref<!tpu.dma_semaphore, #tpu.memory_space<semaphore_mem>>) src(%dma_wait3A_48 : memref<632x128xf32, #tpu.memory_space<vmem_shared>>) dst(%dma_wait3A_46 : memref<632x128xf32, #tpu.memory_space<hbm>>)
        tpu.yield
      }) : () -> ()
    } else {
    }
    %eq3A_32 = arith.constant 15 : i32
    %eq3A_33 = arith.cmpi eq, %arg1, %eq3A_32 : i32
    %convert_element_type3A_34 = arith.extui %eq3A_33 : i1 to i32
    %cond3A_35 = arith.constant 0 : i32
    %cond3A_36 = arith.cmpi ne, %convert_element_type3A_34, %cond3A_35 : i32
    scf.if %cond3A_36 {
      "tpu.region"() ({
        %run_scoped3A = tpu.sem_alloc : memref<!tpu.dma_semaphore, #tpu.memory_space<semaphore_mem>>
        %dma_start3A = arith.constant 9480 : i32
        %dma_start3A_37 = arith.constant 0 : i32
        %dma_start3A_38 = tpu.memref_slice %arg8[%arg0, %dma_start3A, %dma_start3A_37] : memref<2x10000x128xf32, #tpu.memory_space<hbm>> -> memref<1x520x128xf32, #tpu.memory_space<hbm>>
        %dma_start3A_39 = tpu.memref_squeeze %dma_start3A_38 : memref<1x520x128xf32, #tpu.memory_space<hbm>> -> memref<520x128xf32, #tpu.memory_space<hbm>>
        %dma_start3A_40 = arith.constant 9480 : i32
        %dma_start3A_41 = arith.constant 0 : i32
        %dma_start3A_42 = tpu.memref_slice %arg12[%dma_start3A_40, %dma_start3A_41] : memref<10112x128xf32, #tpu.memory_space<vmem_shared>> -> memref<520x128xf32, #tpu.memory_space<vmem_shared>>
        tpu.enqueue_dma source(%dma_start3A_42 : memref<520x128xf32, #tpu.memory_space<vmem_shared>>) target(%dma_start3A_39 : memref<520x128xf32, #tpu.memory_space<hbm>>) target_semaphore(%run_scoped3A : memref<!tpu.dma_semaphore, #tpu.memory_space<semaphore_mem>>)
        %dma_wait3A = arith.constant 9480 : i32
        %dma_wait3A_43 = arith.constant 0 : i32
        %dma_wait3A_44 = tpu.memref_slice %arg8[%arg0, %dma_wait3A, %dma_wait3A_43] : memref<2x10000x128xf32, #tpu.memory_space<hbm>> -> memref<1x520x128xf32, #tpu.memory_space<hbm>>
        %dma_wait3A_45 = tpu.memref_squeeze %dma_wait3A_44 : memref<1x520x128xf32, #tpu.memory_space<hbm>> -> memref<520x128xf32, #tpu.memory_space<hbm>>
        %dma_wait3A_46 = arith.constant 9480 : i32
        %dma_wait3A_47 = arith.constant 0 : i32
        %dma_wait3A_48 = tpu.memref_slice %arg12[%dma_wait3A_46, %dma_wait3A_47] : memref<10112x128xf32, #tpu.memory_space<vmem_shared>> -> memref<520x128xf32, #tpu.memory_space<vmem_shared>>
        tpu.wait_dma2 semaphore(%run_scoped3A : memref<!tpu.dma_semaphore, #tpu.memory_space<semaphore_mem>>) src(%dma_wait3A_48 : memref<520x128xf32, #tpu.memory_space<vmem_shared>>) dst(%dma_wait3A_45 : memref<520x128xf32, #tpu.memory_space<hbm>>)
        tpu.yield
      }) : () -> ()
    } else {
    }
    return
  }
}

#map = affine_map<(d0, d1) -> (0, 0)>
#map1 = affine_map<(d0, d1) -> (0)>
#map2 = affine_map<(d0, d1) -> (0, 0, 0)>
module attributes {stable_mosaic.version = 14 : i64} {
  func.func @body(%arg0: i32, %arg1: i32, %arg2: memref<10000x128xf32, #tpu.memory_space<hbm>>, %arg3: memref<327680xi32, #tpu.memory_space<hbm>>, %arg4: memref<327680xi32, #tpu.memory_space<hbm>>, %arg5: memref<632x128xf32, #tpu.memory_space<hbm>>, %arg6: memref<320x128xf32, #tpu.memory_space<hbm>>, %arg7: memref<2x10000x128xf32, #tpu.memory_space<hbm>>, %arg8: memref<320xi32, #tpu.memory_space<vmem>>, %arg9: memref<320xi32, #tpu.memory_space<vmem>>, %arg10: memref<320x128xf32, #tpu.memory_space<vmem>>, %arg11: memref<10112x128xf32, #tpu.memory_space<vmem_shared>>, %arg12: memref<!tpu.dma_semaphore, #tpu.memory_space<semaphore_mem>>) attributes {dimension_semantics = [#tpu.dimension_semantics<core_parallel>, #tpu.dimension_semantics<subcore_parallel>], iteration_bounds = array<i64: 2, 16>, scalar_prefetch = 0 : i64, scratch_operands = 5 : i64, tpu.core_type = #tpu.core_type<sc_vector_subcore>, window_params = [{transform_indices = #map}, {transform_indices = #map1}, {transform_indices = #map1}, {transform_indices = #map}, {transform_indices = #map}, {transform_indices = #map2}]} {
    %mul3A = arith.constant 16 : i32
    %mul3A_0 = arith.muli %arg0, %mul3A : i32
    %add3A = arith.addi %mul3A_0, %arg1 : i32
    %mul3A_1 = arith.constant 10240 : i32
    %mul3A_2 = arith.muli %add3A, %mul3A_1 : i32
    %mul3A_3 = arith.constant 632 : i32
    %mul3A_4 = arith.muli %arg1, %mul3A_3 : i32
    "tpu.region"() ({
      %run_scoped3A = tpu.sem_alloc : memref<!tpu.dma_semaphore, #tpu.memory_space<semaphore_mem>>
      %dma_start3A = arith.constant 0 : i32
      %dma_start3A_17 = tpu.memref_slice %arg11[%mul3A_4, %dma_start3A] : memref<10112x128xf32, #tpu.memory_space<vmem_shared>> -> memref<632x128xf32, #tpu.memory_space<vmem_shared>>
      tpu.enqueue_dma source(%arg5 : memref<632x128xf32, #tpu.memory_space<hbm>>) target(%dma_start3A_17 : memref<632x128xf32, #tpu.memory_space<vmem_shared>>) target_semaphore(%run_scoped3A : memref<!tpu.dma_semaphore, #tpu.memory_space<semaphore_mem>>)
      %dma_wait3A = arith.constant 0 : i32
      %dma_wait3A_18 = tpu.memref_slice %arg11[%mul3A_4, %dma_wait3A] : memref<10112x128xf32, #tpu.memory_space<vmem_shared>> -> memref<632x128xf32, #tpu.memory_space<vmem_shared>>
      tpu.wait_dma2 semaphore(%run_scoped3A : memref<!tpu.dma_semaphore, #tpu.memory_space<semaphore_mem>>) src(%arg5 : memref<632x128xf32, #tpu.memory_space<hbm>>) dst(%dma_wait3A_18 : memref<632x128xf32, #tpu.memory_space<vmem_shared>>)
      tpu.yield
    }) : () -> ()
    %barrier3A = arith.constant 0 : index
    tpu.barrier barrier_id(%barrier3A)
    %scan3A = arith.constant 0 : i32
    %scan3A_5 = arith.constant 0 : i32
    %scan3A_6 = arith.constant 32 : i32
    %scan3A_7 = arith.addi %scan3A_5, %scan3A_6 : i32
    %scan3A_8 = arith.constant 1 : i32
    scf.for %scan3A_17 = %scan3A_5 to %scan3A_7 step %scan3A_8  : i32 {
      %mul3A_18 = arith.constant 320 : i32
      %mul3A_19 = arith.muli %scan3A_17, %mul3A_18 : i32
      %add3A_20 = arith.addi %mul3A_2, %mul3A_19 : i32
      "tpu.region"() ({
        %run_scoped3A = tpu.sem_alloc : memref<!tpu.dma_semaphore, #tpu.memory_space<semaphore_mem>>
        %dma_start3A_25 = tpu.memref_slice %arg3[%add3A_20] : memref<327680xi32, #tpu.memory_space<hbm>> -> memref<320xi32, #tpu.memory_space<hbm>>
        %dma_start3A_26 = tpu.memref_slice %arg3[%add3A_20] : memref<327680xi32, #tpu.memory_space<hbm>> -> memref<320xi32, #tpu.memory_space<hbm>>
        tpu.enqueue_dma source(%dma_start3A_26 : memref<320xi32, #tpu.memory_space<hbm>>) target(%arg8 : memref<320xi32, #tpu.memory_space<vmem>>) target_semaphore(%run_scoped3A : memref<!tpu.dma_semaphore, #tpu.memory_space<semaphore_mem>>)
        %dma_wait3A_27 = tpu.memref_slice %arg3[%add3A_20] : memref<327680xi32, #tpu.memory_space<hbm>> -> memref<320xi32, #tpu.memory_space<hbm>>
        %dma_wait3A_28 = tpu.memref_slice %arg3[%add3A_20] : memref<327680xi32, #tpu.memory_space<hbm>> -> memref<320xi32, #tpu.memory_space<hbm>>
        tpu.wait_dma2 semaphore(%run_scoped3A : memref<!tpu.dma_semaphore, #tpu.memory_space<semaphore_mem>>) src(%dma_wait3A_28 : memref<320xi32, #tpu.memory_space<hbm>>) dst(%arg8 : memref<320xi32, #tpu.memory_space<vmem>>)
        tpu.yield
      }) : () -> ()
      "tpu.region"() ({
        %run_scoped3A = tpu.sem_alloc : memref<!tpu.dma_semaphore, #tpu.memory_space<semaphore_mem>>
        %dma_start3A_25 = tpu.memref_slice %arg4[%add3A_20] : memref<327680xi32, #tpu.memory_space<hbm>> -> memref<320xi32, #tpu.memory_space<hbm>>
        %dma_start3A_26 = tpu.memref_slice %arg4[%add3A_20] : memref<327680xi32, #tpu.memory_space<hbm>> -> memref<320xi32, #tpu.memory_space<hbm>>
        tpu.enqueue_dma source(%dma_start3A_26 : memref<320xi32, #tpu.memory_space<hbm>>) target(%arg9 : memref<320xi32, #tpu.memory_space<vmem>>) target_semaphore(%run_scoped3A : memref<!tpu.dma_semaphore, #tpu.memory_space<semaphore_mem>>)
        %dma_wait3A_27 = tpu.memref_slice %arg4[%add3A_20] : memref<327680xi32, #tpu.memory_space<hbm>> -> memref<320xi32, #tpu.memory_space<hbm>>
        %dma_wait3A_28 = tpu.memref_slice %arg4[%add3A_20] : memref<327680xi32, #tpu.memory_space<hbm>> -> memref<320xi32, #tpu.memory_space<hbm>>
        tpu.wait_dma2 semaphore(%run_scoped3A : memref<!tpu.dma_semaphore, #tpu.memory_space<semaphore_mem>>) src(%dma_wait3A_28 : memref<320xi32, #tpu.memory_space<hbm>>) dst(%arg9 : memref<320xi32, #tpu.memory_space<vmem>>)
        tpu.yield
      }) : () -> ()
      %dma_start3A = arith.constant 0 : i32
      %dma_start3A_21 = arith.constant 0 : i32
      %dma_start3A_22 = tpu.memref_slice %arg2[%dma_start3A, %dma_start3A_21] : memref<10000x128xf32, #tpu.memory_space<hbm>> -> memref<10000x128xf32, #tpu.memory_space<hbm>>
      tpu.enqueue_indirect_dma source(%dma_start3A_22 : memref<10000x128xf32, #tpu.memory_space<hbm>>) target(%arg10 : memref<320x128xf32, #tpu.memory_space<vmem>>) offsets(%arg8 : memref<320xi32, #tpu.memory_space<vmem>>) semaphore(%arg12 : memref<!tpu.dma_semaphore, #tpu.memory_space<semaphore_mem>>)
      %dma_wait3A = arith.constant 0 : i32
      %dma_wait3A_23 = arith.constant 0 : i32
      %dma_wait3A_24 = tpu.memref_slice %arg2[%dma_wait3A, %dma_wait3A_23] : memref<10000x128xf32, #tpu.memory_space<hbm>> -> memref<10000x128xf32, #tpu.memory_space<hbm>>
      tpu.wait_indirect_dma semaphore(%arg12 : memref<!tpu.dma_semaphore, #tpu.memory_space<semaphore_mem>>) src(%dma_wait3A_24 : memref<10000x128xf32, #tpu.memory_space<hbm>>) dst(%arg10 : memref<320x128xf32, #tpu.memory_space<vmem>>)
      "tpu.region"() ({
        %run_scoped3A = tpu.sem_alloc : memref<!tpu.dma_semaphore, #tpu.memory_space<semaphore_mem>>
        %dma_start3A_25 = arith.constant 0 : i32
        %dma_start3A_26 = arith.constant 0 : i32
        %dma_start3A_27 = tpu.memref_slice %arg11[%dma_start3A_25, %dma_start3A_26] : memref<10112x128xf32, #tpu.memory_space<vmem_shared>> -> memref<10112x128xf32, #tpu.memory_space<vmem_shared>>
        tpu.enqueue_indirect_dma source(%arg10 : memref<320x128xf32, #tpu.memory_space<vmem>>) target(%dma_start3A_27 : memref<10112x128xf32, #tpu.memory_space<vmem_shared>>) offsets(%arg9 : memref<320xi32, #tpu.memory_space<vmem>>) semaphore(%run_scoped3A : memref<!tpu.dma_semaphore, #tpu.memory_space<semaphore_mem>>) {add = true}
        %dma_wait3A_28 = arith.constant 0 : i32
        %dma_wait3A_29 = arith.constant 0 : i32
        %dma_wait3A_30 = tpu.memref_slice %arg11[%dma_wait3A_28, %dma_wait3A_29] : memref<10112x128xf32, #tpu.memory_space<vmem_shared>> -> memref<10112x128xf32, #tpu.memory_space<vmem_shared>>
        tpu.wait_indirect_dma semaphore(%run_scoped3A : memref<!tpu.dma_semaphore, #tpu.memory_space<semaphore_mem>>) src(%arg10 : memref<320x128xf32, #tpu.memory_space<vmem>>) dst(%dma_wait3A_30 : memref<10112x128xf32, #tpu.memory_space<vmem_shared>>)
        tpu.yield
      }) : () -> ()
    }
    %scan3A_9 = arith.constant 32 : i32
    %barrier3A_10 = arith.constant 0 : index
    tpu.barrier barrier_id(%barrier3A_10)
    %lt3A = arith.constant 15 : i32
    %lt3A_11 = arith.cmpi slt, %arg1, %lt3A : i32
    %convert_element_type3A = arith.extui %lt3A_11 : i1 to i32
    %cond3A = arith.constant 0 : i32
    %cond3A_12 = arith.cmpi ne, %convert_element_type3A, %cond3A : i32
    scf.if %cond3A_12 {
      %mul3A_17 = arith.constant 632 : i32
      %mul3A_18 = arith.muli %arg1, %mul3A_17 : i32
      %mul3A_19 = arith.constant 632 : i32
      %mul3A_20 = arith.muli %arg1, %mul3A_19 : i32
      "tpu.region"() ({
        %run_scoped3A = tpu.sem_alloc : memref<!tpu.dma_semaphore, #tpu.memory_space<semaphore_mem>>
        %dma_start3A = arith.constant 0 : i32
        %dma_start3A_21 = tpu.memref_slice %arg7[%arg0, %mul3A_20, %dma_start3A] : memref<2x10000x128xf32, #tpu.memory_space<hbm>> -> memref<1x632x128xf32, #tpu.memory_space<hbm>>
        %dma_start3A_22 = tpu.memref_squeeze %dma_start3A_21 : memref<1x632x128xf32, #tpu.memory_space<hbm>> -> memref<632x128xf32, #tpu.memory_space<hbm>>
        %dma_start3A_23 = arith.constant 0 : i32
        %dma_start3A_24 = tpu.memref_slice %arg11[%mul3A_18, %dma_start3A_23] : memref<10112x128xf32, #tpu.memory_space<vmem_shared>> -> memref<632x128xf32, #tpu.memory_space<vmem_shared>>
        tpu.enqueue_dma source(%dma_start3A_24 : memref<632x128xf32, #tpu.memory_space<vmem_shared>>) target(%dma_start3A_22 : memref<632x128xf32, #tpu.memory_space<hbm>>) target_semaphore(%run_scoped3A : memref<!tpu.dma_semaphore, #tpu.memory_space<semaphore_mem>>)
        %dma_wait3A = arith.constant 0 : i32
        %dma_wait3A_25 = tpu.memref_slice %arg7[%arg0, %mul3A_20, %dma_wait3A] : memref<2x10000x128xf32, #tpu.memory_space<hbm>> -> memref<1x632x128xf32, #tpu.memory_space<hbm>>
        %dma_wait3A_26 = tpu.memref_squeeze %dma_wait3A_25 : memref<1x632x128xf32, #tpu.memory_space<hbm>> -> memref<632x128xf32, #tpu.memory_space<hbm>>
        %dma_wait3A_27 = arith.constant 0 : i32
        %dma_wait3A_28 = tpu.memref_slice %arg11[%mul3A_18, %dma_wait3A_27] : memref<10112x128xf32, #tpu.memory_space<vmem_shared>> -> memref<632x128xf32, #tpu.memory_space<vmem_shared>>
        tpu.wait_dma2 semaphore(%run_scoped3A : memref<!tpu.dma_semaphore, #tpu.memory_space<semaphore_mem>>) src(%dma_wait3A_28 : memref<632x128xf32, #tpu.memory_space<vmem_shared>>) dst(%dma_wait3A_26 : memref<632x128xf32, #tpu.memory_space<hbm>>)
        tpu.yield
      }) : () -> ()
    } else {
    }
    %eq3A = arith.constant 15 : i32
    %eq3A_13 = arith.cmpi eq, %arg1, %eq3A : i32
    %convert_element_type3A_14 = arith.extui %eq3A_13 : i1 to i32
    %cond3A_15 = arith.constant 0 : i32
    %cond3A_16 = arith.cmpi ne, %convert_element_type3A_14, %cond3A_15 : i32
    scf.if %cond3A_16 {
      "tpu.region"() ({
        %run_scoped3A = tpu.sem_alloc : memref<!tpu.dma_semaphore, #tpu.memory_space<semaphore_mem>>
        %dma_start3A = arith.constant 9480 : i32
        %dma_start3A_17 = arith.constant 0 : i32
        %dma_start3A_18 = tpu.memref_slice %arg7[%arg0, %dma_start3A, %dma_start3A_17] : memref<2x10000x128xf32, #tpu.memory_space<hbm>> -> memref<1x520x128xf32, #tpu.memory_space<hbm>>
        %dma_start3A_19 = tpu.memref_squeeze %dma_start3A_18 : memref<1x520x128xf32, #tpu.memory_space<hbm>> -> memref<520x128xf32, #tpu.memory_space<hbm>>
        %dma_start3A_20 = arith.constant 9480 : i32
        %dma_start3A_21 = arith.constant 0 : i32
        %dma_start3A_22 = tpu.memref_slice %arg11[%dma_start3A_20, %dma_start3A_21] : memref<10112x128xf32, #tpu.memory_space<vmem_shared>> -> memref<520x128xf32, #tpu.memory_space<vmem_shared>>
        tpu.enqueue_dma source(%dma_start3A_22 : memref<520x128xf32, #tpu.memory_space<vmem_shared>>) target(%dma_start3A_19 : memref<520x128xf32, #tpu.memory_space<hbm>>) target_semaphore(%run_scoped3A : memref<!tpu.dma_semaphore, #tpu.memory_space<semaphore_mem>>)
        %dma_wait3A = arith.constant 9480 : i32
        %dma_wait3A_23 = arith.constant 0 : i32
        %dma_wait3A_24 = tpu.memref_slice %arg7[%arg0, %dma_wait3A, %dma_wait3A_23] : memref<2x10000x128xf32, #tpu.memory_space<hbm>> -> memref<1x520x128xf32, #tpu.memory_space<hbm>>
        %dma_wait3A_25 = tpu.memref_squeeze %dma_wait3A_24 : memref<1x520x128xf32, #tpu.memory_space<hbm>> -> memref<520x128xf32, #tpu.memory_space<hbm>>
        %dma_wait3A_26 = arith.constant 9480 : i32
        %dma_wait3A_27 = arith.constant 0 : i32
        %dma_wait3A_28 = tpu.memref_slice %arg11[%dma_wait3A_26, %dma_wait3A_27] : memref<10112x128xf32, #tpu.memory_space<vmem_shared>> -> memref<520x128xf32, #tpu.memory_space<vmem_shared>>
        tpu.wait_dma2 semaphore(%run_scoped3A : memref<!tpu.dma_semaphore, #tpu.memory_space<semaphore_mem>>) src(%dma_wait3A_28 : memref<520x128xf32, #tpu.memory_space<vmem_shared>>) dst(%dma_wait3A_25 : memref<520x128xf32, #tpu.memory_space<hbm>>)
        tpu.yield
      }) : () -> ()
    } else {
    }
    return
  }
}

module attributes {stable_mosaic.version = 14 : i64} {
  func.func @_dense_body(%arg0: i32, %arg1: memref<2x1000x128xf32, #tpu.memory_space<vmem>>, %arg2: memref<2x1000x128xf32, #tpu.memory_space<vmem>>, %arg3: memref<1000x128xf32, #tpu.memory_space<vmem>>, %arg4: memref<128x128xf32, #tpu.memory_space<vmem>>, %arg5: memref<128x128xf32, #tpu.memory_space<vmem>>, %arg6: memref<1x128xf32, #tpu.memory_space<vmem>>, %arg7: memref<1000x128xf32, #tpu.memory_space<vmem>>) attributes {dimension_semantics = [#tpu.dimension_semantics<arbitrary>], iteration_bounds = array<i64: 10>, scalar_prefetch = 0 : i64, scratch_operands = 0 : i64, tpu.core_type = #tpu.core_type<tc>, window_params = [{transform_indices = @transform_0, window_bounds = array<i64: 2, 1000, 128>}, {transform_indices = @transform_1, window_bounds = array<i64: 2, 1000, 128>}, {transform_indices = @transform_2, window_bounds = array<i64: 1000, 128>}, {pipeline_mode = #tpu.pipeline_mode<synchronous>, transform_indices = @transform_3, window_bounds = array<i64: 128, 128>}, {pipeline_mode = #tpu.pipeline_mode<synchronous>, transform_indices = @transform_4, window_bounds = array<i64: 128, 128>}, {pipeline_mode = #tpu.pipeline_mode<synchronous>, transform_indices = @transform_5, window_bounds = array<i64: 1, 128>}, {transform_indices = @transform_6, window_bounds = array<i64: 1000, 128>}]} {
    %get3A = arith.constant 0 : index
    %get3A_0 = arith.constant 0 : index
    %get3A_1 = arith.constant 0 : index
    %get3A_2 = vector.load %arg2[%get3A, %get3A_0, %get3A_1] : memref<2x1000x128xf32, #tpu.memory_space<vmem>>, vector<1x1000x1xf32>
    %get3A_3 = vector.shape_cast %get3A_2 : vector<1x1000x1xf32> to vector<1000x1xf32>
    %get3A_4 = arith.constant 1 : index
    %get3A_5 = arith.constant 0 : index
    %get3A_6 = arith.constant 0 : index
    %get3A_7 = vector.load %arg2[%get3A_4, %get3A_5, %get3A_6] : memref<2x1000x128xf32, #tpu.memory_space<vmem>>, vector<1x1000x1xf32>
    %get3A_8 = vector.shape_cast %get3A_7 : vector<1x1000x1xf32> to vector<1000x1xf32>
    %add3A = arith.addf %get3A_3, %get3A_8 : vector<1000x1xf32>
    %get3A_9 = arith.constant 0 : index
    %get3A_10 = arith.constant 0 : index
    %get3A_11 = arith.constant 0 : index
    %get3A_12 = vector.load %arg1[%get3A_9, %get3A_10, %get3A_11] : memref<2x1000x128xf32, #tpu.memory_space<vmem>>, vector<1x1000x128xf32>
    %get3A_13 = vector.shape_cast %get3A_12 : vector<1x1000x128xf32> to vector<1000x128xf32>
    %get3A_14 = arith.constant 1 : index
    %get3A_15 = arith.constant 0 : index
    %get3A_16 = arith.constant 0 : index
    %get3A_17 = vector.load %arg1[%get3A_14, %get3A_15, %get3A_16] : memref<2x1000x128xf32, #tpu.memory_space<vmem>>, vector<1x1000x128xf32>
    %get3A_18 = vector.shape_cast %get3A_17 : vector<1x1000x128xf32> to vector<1000x128xf32>
    %add3A_19 = arith.addf %get3A_13, %get3A_18 : vector<1000x128xf32>
    %max3A = arith.constant 1.000000e+00 : f32
    %max3A_20 = vector.broadcast %max3A : f32 to vector<1000x1xf32>
    %max3A_21 = arith.maximumf %add3A, %max3A_20 : vector<1000x1xf32>
    %div3A = vector.broadcast %max3A_21 : vector<1000x1xf32> to vector<1000x128xf32>
    %div3A_22 = arith.divf %add3A_19, %div3A : vector<1000x128xf32>
    %get3A_23 = arith.constant 0 : index
    %get3A_24 = arith.constant 0 : index
    %get3A_25 = vector.load %arg4[%get3A_23, %get3A_24] : memref<128x128xf32, #tpu.memory_space<vmem>>, vector<128x128xf32>
    %dot_general3A = arith.constant dense<0.000000e+00> : vector<1000x128xf32>
    %dot_general3A_26 = tpu.matmul %div3A_22, %get3A_25, %dot_general3A {dimension_numbers = #tpu.dot_dimension_numbers<[1], [0], [0], [1], [0, 0, 1, 1], [], []>, transpose_lhs_hint = false} : vector<1000x128xf32>, vector<128x128xf32>, vector<1000x128xf32> -> vector<1000x128xf32>
    %get3A_27 = arith.constant 0 : index
    %get3A_28 = arith.constant 0 : index
    %get3A_29 = vector.load %arg3[%get3A_27, %get3A_28] : memref<1000x128xf32, #tpu.memory_space<vmem>>, vector<1000x128xf32>
    %get3A_30 = arith.constant 0 : index
    %get3A_31 = arith.constant 0 : index
    %get3A_32 = vector.load %arg5[%get3A_30, %get3A_31] : memref<128x128xf32, #tpu.memory_space<vmem>>, vector<128x128xf32>
    %dot_general3A_33 = arith.constant dense<0.000000e+00> : vector<1000x128xf32>
    %dot_general3A_34 = tpu.matmul %get3A_29, %get3A_32, %dot_general3A_33 {dimension_numbers = #tpu.dot_dimension_numbers<[1], [0], [0], [1], [0, 0, 1, 1], [], []>, transpose_lhs_hint = false} : vector<1000x128xf32>, vector<128x128xf32>, vector<1000x128xf32> -> vector<1000x128xf32>
    %add3A_35 = arith.addf %dot_general3A_26, %dot_general3A_34 : vector<1000x128xf32>
    %get3A_36 = arith.constant 0 : index
    %get3A_37 = arith.constant 0 : index
    %get3A_38 = vector.load %arg6[%get3A_36, %get3A_37] : memref<1x128xf32, #tpu.memory_space<vmem>>, vector<1x128xf32>
    %add3A_39 = vector.broadcast %get3A_38 : vector<1x128xf32> to vector<1000x128xf32>
    %add3A_40 = arith.addf %add3A_35, %add3A_39 : vector<1000x128xf32>
    %max3A_41 = arith.constant 0.000000e+00 : f32
    %max3A_42 = vector.broadcast %max3A_41 : f32 to vector<1000x128xf32>
    %max3A_43 = arith.maximumf %add3A_40, %max3A_42 : vector<1000x128xf32>
    %swap3A = arith.constant 0 : index
    %swap3A_44 = arith.constant 0 : index
    %swap3A_45 = vector.load %arg7[%swap3A, %swap3A_44] : memref<1000x128xf32, #tpu.memory_space<vmem>>, vector<1000x128xf32>
    tpu.vector_store %arg7[%swap3A, %swap3A_44], %max3A_43 {strides = array<i32>} : memref<1000x128xf32, #tpu.memory_space<vmem>>, vector<1000x128xf32>,
    return
  }
  func.func @transform_0(%arg0: i32) -> (i32, i32, i32) {
    %c0_i32 = arith.constant 0 : i32
    %c0_i32_0 = arith.constant 0 : i32
    %c0_i32_1 = arith.constant 0 : i32
    return %c0_i32, %arg0, %c0_i32_0 : i32, i32, i32
  }
  func.func @transform_1(%arg0: i32) -> (i32, i32, i32) {
    %c0_i32 = arith.constant 0 : i32
    %c0_i32_0 = arith.constant 0 : i32
    %c0_i32_1 = arith.constant 0 : i32
    return %c0_i32, %arg0, %c0_i32_0 : i32, i32, i32
  }
  func.func @transform_2(%arg0: i32) -> (i32, i32) {
    %c0_i32 = arith.constant 0 : i32
    %c0_i32_0 = arith.constant 0 : i32
    return %arg0, %c0_i32 : i32, i32
  }
  func.func @transform_3(%arg0: i32) -> (i32, i32) {
    %c0_i32 = arith.constant 0 : i32
    %c0_i32_0 = arith.constant 0 : i32
    %c0_i32_1 = arith.constant 0 : i32
    return %c0_i32, %c0_i32_0 : i32, i32
  }
  func.func @transform_4(%arg0: i32) -> (i32, i32) {
    %c0_i32 = arith.constant 0 : i32
    %c0_i32_0 = arith.constant 0 : i32
    %c0_i32_1 = arith.constant 0 : i32
    return %c0_i32, %c0_i32_0 : i32, i32
  }
  func.func @transform_5(%arg0: i32) -> (i32, i32) {
    %c0_i32 = arith.constant 0 : i32
    %c0_i32_0 = arith.constant 0 : i32
    %c0_i32_1 = arith.constant 0 : i32
    return %c0_i32, %c0_i32_0 : i32, i32
  }
  func.func @transform_6(%arg0: i32) -> (i32, i32) {
    %c0_i32 = arith.constant 0 : i32
    %c0_i32_0 = arith.constant 0 : i32
    return %arg0, %c0_i32 : i32, i32
  }
}

module attributes {stable_mosaic.version = 14 : i64} {
  func.func @_dense_body(%arg0: i32, %arg1: memref<2x1000x128xf32, #tpu.memory_space<vmem>>, %arg2: memref<2x1000x128xf32, #tpu.memory_space<vmem>>, %arg3: memref<1000x128xf32, #tpu.memory_space<vmem>>, %arg4: memref<128x128xf32, #tpu.memory_space<vmem>>, %arg5: memref<128x128xf32, #tpu.memory_space<vmem>>, %arg6: memref<1x128xf32, #tpu.memory_space<vmem>>, %arg7: memref<1000x128xf32, #tpu.memory_space<vmem>>) attributes {dimension_semantics = [#tpu.dimension_semantics<arbitrary>], iteration_bounds = array<i64: 10>, scalar_prefetch = 0 : i64, scratch_operands = 0 : i64, tpu.core_type = #tpu.core_type<tc>, window_params = [{transform_indices = @transform_0, window_bounds = array<i64: 2, 1000, 128>}, {transform_indices = @transform_1, window_bounds = array<i64: 2, 1000, 128>}, {transform_indices = @transform_2, window_bounds = array<i64: 1000, 128>}, {pipeline_mode = #tpu.pipeline_mode<synchronous>, transform_indices = @transform_3, window_bounds = array<i64: 128, 128>}, {pipeline_mode = #tpu.pipeline_mode<synchronous>, transform_indices = @transform_4, window_bounds = array<i64: 128, 128>}, {pipeline_mode = #tpu.pipeline_mode<synchronous>, transform_indices = @transform_5, window_bounds = array<i64: 1, 128>}, {transform_indices = @transform_6, window_bounds = array<i64: 1000, 128>}]} {
    %get3A = arith.constant 0 : index
    %get3A_0 = arith.constant 0 : index
    %get3A_1 = arith.constant 0 : index
    %get3A_2 = vector.load %arg2[%get3A, %get3A_0, %get3A_1] : memref<2x1000x128xf32, #tpu.memory_space<vmem>>, vector<1x1000x1xf32>
    %get3A_3 = vector.shape_cast %get3A_2 : vector<1x1000x1xf32> to vector<1000x1xf32>
    %get3A_4 = arith.constant 1 : index
    %get3A_5 = arith.constant 0 : index
    %get3A_6 = arith.constant 0 : index
    %get3A_7 = vector.load %arg2[%get3A_4, %get3A_5, %get3A_6] : memref<2x1000x128xf32, #tpu.memory_space<vmem>>, vector<1x1000x1xf32>
    %get3A_8 = vector.shape_cast %get3A_7 : vector<1x1000x1xf32> to vector<1000x1xf32>
    %add3A = arith.addf %get3A_3, %get3A_8 : vector<1000x1xf32>
    %get3A_9 = arith.constant 0 : index
    %get3A_10 = arith.constant 0 : index
    %get3A_11 = arith.constant 0 : index
    %get3A_12 = vector.load %arg1[%get3A_9, %get3A_10, %get3A_11] : memref<2x1000x128xf32, #tpu.memory_space<vmem>>, vector<1x1000x128xf32>
    %get3A_13 = vector.shape_cast %get3A_12 : vector<1x1000x128xf32> to vector<1000x128xf32>
    %get3A_14 = arith.constant 1 : index
    %get3A_15 = arith.constant 0 : index
    %get3A_16 = arith.constant 0 : index
    %get3A_17 = vector.load %arg1[%get3A_14, %get3A_15, %get3A_16] : memref<2x1000x128xf32, #tpu.memory_space<vmem>>, vector<1x1000x128xf32>
    %get3A_18 = vector.shape_cast %get3A_17 : vector<1x1000x128xf32> to vector<1000x128xf32>
    %add3A_19 = arith.addf %get3A_13, %get3A_18 : vector<1000x128xf32>
    %max3A = arith.constant 1.000000e+00 : f32
    %max3A_20 = vector.broadcast %max3A : f32 to vector<1000x1xf32>
    %max3A_21 = arith.maximumf %add3A, %max3A_20 : vector<1000x1xf32>
    %div3A = vector.broadcast %max3A_21 : vector<1000x1xf32> to vector<1000x128xf32>
    %div3A_22 = arith.divf %add3A_19, %div3A : vector<1000x128xf32>
    %get3A_23 = arith.constant 0 : index
    %get3A_24 = arith.constant 0 : index
    %get3A_25 = vector.load %arg4[%get3A_23, %get3A_24] : memref<128x128xf32, #tpu.memory_space<vmem>>, vector<128x128xf32>
    %dot_general3A = arith.constant dense<0.000000e+00> : vector<1000x128xf32>
    %dot_general3A_26 = tpu.matmul %div3A_22, %get3A_25, %dot_general3A {dimension_numbers = #tpu.dot_dimension_numbers<[1], [0], [0], [1], [0, 0, 1, 1], [], []>, transpose_lhs_hint = false} : vector<1000x128xf32>, vector<128x128xf32>, vector<1000x128xf32> -> vector<1000x128xf32>
    %get3A_27 = arith.constant 0 : index
    %get3A_28 = arith.constant 0 : index
    %get3A_29 = vector.load %arg3[%get3A_27, %get3A_28] : memref<1000x128xf32, #tpu.memory_space<vmem>>, vector<1000x128xf32>
    %get3A_30 = arith.constant 0 : index
    %get3A_31 = arith.constant 0 : index
    %get3A_32 = vector.load %arg5[%get3A_30, %get3A_31] : memref<128x128xf32, #tpu.memory_space<vmem>>, vector<128x128xf32>
    %dot_general3A_33 = arith.constant dense<0.000000e+00> : vector<1000x128xf32>
    %dot_general3A_34 = tpu.matmul %get3A_29, %get3A_32, %dot_general3A_33 {dimension_numbers = #tpu.dot_dimension_numbers<[1], [0], [0], [1], [0, 0, 1, 1], [], []>, transpose_lhs_hint = false} : vector<1000x128xf32>, vector<128x128xf32>, vector<1000x128xf32> -> vector<1000x128xf32>
    %add3A_35 = arith.addf %dot_general3A_26, %dot_general3A_34 : vector<1000x128xf32>
    %get3A_36 = arith.constant 0 : index
    %get3A_37 = arith.constant 0 : index
    %get3A_38 = vector.load %arg6[%get3A_36, %get3A_37] : memref<1x128xf32, #tpu.memory_space<vmem>>, vector<1x128xf32>
    %add3A_39 = vector.broadcast %get3A_38 : vector<1x128xf32> to vector<1000x128xf32>
    %add3A_40 = arith.addf %add3A_35, %add3A_39 : vector<1000x128xf32>
    %max3A_41 = arith.constant 0.000000e+00 : f32
    %max3A_42 = vector.broadcast %max3A_41 : f32 to vector<1000x128xf32>
    %max3A_43 = arith.maximumf %add3A_40, %max3A_42 : vector<1000x128xf32>
    %swap3A = arith.constant 0 : index
    %swap3A_44 = arith.constant 0 : index
    %swap3A_45 = vector.load %arg7[%swap3A, %swap3A_44] : memref<1000x128xf32, #tpu.memory_space<vmem>>, vector<1000x128xf32>
    tpu.vector_store %arg7[%swap3A, %swap3A_44], %max3A_43 {strides = array<i32>} : memref<1000x128xf32, #tpu.memory_space<vmem>>, vector<1000x128xf32>,
    return
  }
  func.func @transform_0(%arg0: i32) -> (i32, i32, i32) {
    %c0_i32 = arith.constant 0 : i32
    %c0_i32_0 = arith.constant 0 : i32
    %c0_i32_1 = arith.constant 0 : i32
    return %c0_i32, %arg0, %c0_i32_0 : i32, i32, i32
  }
  func.func @transform_1(%arg0: i32) -> (i32, i32, i32) {
    %c0_i32 = arith.constant 0 : i32
    %c0_i32_0 = arith.constant 0 : i32
    %c0_i32_1 = arith.constant 0 : i32
    return %c0_i32, %arg0, %c0_i32_0 : i32, i32, i32
  }
  func.func @transform_2(%arg0: i32) -> (i32, i32) {
    %c0_i32 = arith.constant 0 : i32
    %c0_i32_0 = arith.constant 0 : i32
    return %arg0, %c0_i32 : i32, i32
  }
  func.func @transform_3(%arg0: i32) -> (i32, i32) {
    %c0_i32 = arith.constant 0 : i32
    %c0_i32_0 = arith.constant 0 : i32
    %c0_i32_1 = arith.constant 0 : i32
    return %c0_i32, %c0_i32_0 : i32, i32
  }
  func.func @transform_4(%arg0: i32) -> (i32, i32) {
    %c0_i32 = arith.constant 0 : i32
    %c0_i32_0 = arith.constant 0 : i32
    %c0_i32_1 = arith.constant 0 : i32
    return %c0_i32, %c0_i32_0 : i32, i32
  }
  func.func @transform_5(%arg0: i32) -> (i32, i32) {
    %c0_i32 = arith.constant 0 : i32
    %c0_i32_0 = arith.constant 0 : i32
    %c0_i32_1 = arith.constant 0 : i32
    return %c0_i32, %c0_i32_0 : i32, i32
  }
  func.func @transform_6(%arg0: i32) -> (i32, i32) {
    %c0_i32 = arith.constant 0 : i32
    %c0_i32_0 = arith.constant 0 : i32
    return %arg0, %c0_i32 : i32, i32
  }
}

</mosaic_0001>

<sc_bundles>
// kernel: kernel.6.cloned.1.call-start
scs
__scs_entry_jumppad:
0x0: {  	(pc) =	sbr.rel $0x88, $3  }
0x1: {  	(tag) =	ssettag $0x0;
	lr =	simm.s32 $0x1  }
0x2: {  	[smem:$0x3F99] =	sst lr;
	_ =	strace $0xD0000000  }
0x3: {  	_ = 	snop  }
0x4: {  	_ = 	snop  }
0x5: {  	_ = 	snop  }
0x6: {  	_ = 	snop  }
0x7: {  	_ = 	snop  }
__scs_overlays_trampoline_lowered:
0x8: {  	[smem:$0x3FA8] =	sst s0  }
0x9: {  	[smem:$0x3FA9] =	sst s1  }
0xa: {  	[smem:$0x3FAA] =	sst s2  }
0xb: {  	[smem:$0x3FAB] =	sst s3  }
0xc: {  	[smem:$0x3FAC] =	sst s4  }
0xd: {  	[smem:$0x3FAD] =	sst s5  }
0xe: {  	[smem:$0x3FAE] =	sst s6  }
0xf: {  	[smem:$0x3FAF] =	sst s7  }
0x10: {  	[smem:$0x3FB0] =	sst s8  }
0x11: {  	[smem:$0x3FB1] =	sst s9;
	s0 =	simm.s32 @!p0 $0x0  }
0x12: {  	s1 =	sld [smem:$0x3F97];
	s0 =	simm.s32 @p0 $0x1  }
0x13: {  	[smem:$0x3FB2] =	sst s0;
	s0 =	simm.s32 @!p1 $0x0  }
0x14: {  	s2 =	sld [smem:$0x3F96];
	s0 =	simm.s32 @p1 $0x1  }
0x15: {  	[smem:$0x3FB3] =	sst s0;
	s0 =	simm.s32 @!p2 $0x0  }
0x16: {  	s3 =	sld [smem:$0x3FDB];
	s0 =	simm.s32 @p2 $0x1  }
0x17: {  	s4 =	simm.s32 $0x1BF5;
	[smem:$0x3FB5] =	sst s0  }
0x18: {  	s0 =	sld [smem:$0x3F98];
	_ =	swait.ge [sflag:s4], $0x0  }
0x19: {  	s7 =	sld [smem:$0x3F99]  }
0x1a: {  	s8 =	sadd.s32 $0xFFFFE003, lr  }
0x1b: {  	s9 =	sadd.s32 $0xFFFFFEF7, lr;
	s5 =	simm.s32 $0xFFFFFFFF;
	p2 =	slt.u32 s8, $0xFFFFF086  }
0x1c: {  	p1 =	slt.u32 s9, $0xF7A;
	s5 =	simm.s32 @!p2 $0x0  }
0x1d: {  	s5 =	simm.s32 @p1 $0x1;
	p0 =	seq.s32 s7, s2  }
0x1e: {  	s7 =	smul.u32 @!p0 $0xF7A, s2;
	p2 =	seq.s32 @!p0 s5, $0x0  }
0x1f: {  	s9 =	smul.u32 $0xF7A, s1;
	s8 =	simm.s32 @!p0 $0x1BF5;
	p2 =	por !p2, p0  }
0x20: {  	[sflag:s8] =	ssyncset.s32 @!p0 $0xFFFFF086;
	s6 =	sadd.s32 @!p0 s3, s7;
	s7 =	simm.s32 @!p0 $0x108  }
0x21: {  	s3 =	sadd.s32 s3, s9;
	s6 =	sadd.s32 @!p0 $0x88, s6;
	s7 =	simm.s32 @p2 $0x1082  }
0x22: {  	[simem:s7], [sflag:s8] =	dma.local @!p0 [hbm:s6], $0xF7A  }
0x23: {  	s9 =	sor.u32 $0xD0000000, s2;
	s6 =	simm.s32 $0x108;
	_ =	swait.ge @!p0 [sflag:s8], $0x0  }
0x24: {  	s3 =	sadd.s32 $0x88, s3;
	s6 =	simm.s32 @!p1 $0x1082;
	[sflag:s4] =	ssyncset.s32 $0xFFFFF086  }
0x25: {  	[simem:s6], [sflag:s4] =	dma.local [hbm:s3], $0xF7A  }
0x26: {  	[smem:$0x3F99] =	sst s1;
	(tag) =	ssettag s2;
	_ =	strace s9  }
0x27: {  	s1 =	sld [smem:$0x3FA9]  }
0x28: {  	s2 =	sld [smem:$0x3FAA]  }
0x29: {  	s4 =	sld [smem:$0x3FAC]  }
0x2a: {  	p0 =	seq.s32 s5, $0x0;
	s5 =	sld [smem:$0x3FAD]  }
0x2b: {  	s6 =	sld [smem:$0x3FAE]  }
0x2c: {  	s7 =	sld [smem:$0x3FAF]  }
0x2d: {  	s3 =	simm.s32 $0x108;
	s8 =	sld [smem:$0x3FB0]  }
0x2e: {  	s3 =	simm.s32 @!p0 $0x1082;
	s9 =	sld [smem:$0x3FB1]  }
0x2f: {  	lr =	sadd.s32 s0, s3;
	s0 =	sld [smem:$0x3FA8]  }
0x30: {  	s3 =	sld [smem:$0x3FAB]  }
0x31: {  	[smem:$0x3FB4] =	sst s10  }
0x32: {  	s10 =	sld [smem:$0x3FB2];
	_ =	sdelay $0x3  }
0x33: {  	p0 =	seq.s32 s10, $0x1;
	s10 =	sld [smem:$0x3FB4];
	_ =	sdelay $0x3  }
0x34: {  	[smem:$0x3FB4] =	sst s10  }
0x35: {  	s10 =	sld [smem:$0x3FB3];
	_ =	sdelay $0x3  }
0x36: {  	p1 =	seq.s32 s10, $0x1;
	s10 =	sld [smem:$0x3FB4];
	_ =	sdelay $0x3  }
0x37: {  	[smem:$0x3FB4] =	sst s10  }
0x38: {  	s10 =	sld [smem:$0x3FB5]  }
0x39: {  	_ = 	snop;
	(pc) =	sbr.ind lr, $3  }
0x3a: {  	_ = 	snop  }
0x3b: {  	_ = 	snop  }
0x3c: {  	p2 =	seq.s32 s10, $0x1;
	s10 =	sld [smem:$0x3FB4]  }
0x3d: {  	_ =	shalt  }
0x3e: {  	_ =	shalt  }
0x3f: {  	_ =	shalt  }
0x40: {  	_ =	shalt  }
0x41: {  	_ =	shalt  }
0x42: {  	_ =	shalt  }
0x43: {  	_ =	shalt  }
0x44: {  	_ =	shalt  }
0x45: {  	_ =	shalt  }
0x46: {  	_ =	shalt  }
0x47: {  	_ =	shalt  }
0x48: {  	_ =	shalt  }
0x49: {  	_ =	shalt  }
0x4a: {  	_ =	shalt  }
0x4b: {  	_ =	shalt  }
0x4c: {  	_ =	shalt  }
0x4d: {  	_ =	shalt  }
0x4e: {  	_ =	shalt  }
0x4f: {  	_ =	shalt  }
0x50: {  	_ =	shalt  }
0x51: {  	_ =	shalt  }
0x52: {  	_ =	shalt  }
0x53: {  	_ =	shalt  }
0x54: {  	_ =	shalt  }
0x55: {  	_ =	shalt  }
0x56: {  	_ =	shalt  }
0x57: {  	_ =	shalt  }
0x58: {  	_ =	shalt  }
0x59: {  	_ =	shalt  }
0x5a: {  	_ =	shalt  }
0x5b: {  	_ =	shalt  }
0x5c: {  	_ =	shalt  }
0x5d: {  	_ =	shalt  }
0x5e: {  	_ =	shalt  }
0x5f: {  	_ =	shalt  }
0x60: {  	_ =	shalt  }
0x61: {  	_ =	shalt  }
0x62: {  	_ =	shalt  }
0x63: {  	_ =	shalt  }
0x64: {  	_ =	shalt  }
0x65: {  	_ =	shalt  }
0x66: {  	_ =	shalt  }
0x67: {  	_ =	shalt  }
0x68: {  	_ =	shalt  }
0x69: {  	_ =	shalt  }
0x6a: {  	_ =	shalt  }
0x6b: {  	_ =	shalt  }
0x6c: {  	_ =	shalt  }
0x6d: {  	_ =	shalt  }
0x6e: {  	_ =	shalt  }
0x6f: {  	_ =	shalt  }
0x70: {  	_ =	shalt  }
0x71: {  	_ =	shalt  }
0x72: {  	_ =	shalt  }
0x73: {  	_ =	shalt  }
0x74: {  	_ =	shalt  }
0x75: {  	_ =	shalt  }
0x76: {  	_ =	shalt  }
0x77: {  	_ =	shalt  }
0x78: {  	_ =	shalt  }
0x79: {  	_ =	shalt  }
0x7a: {  	_ =	shalt  }
0x7b: {  	_ =	shalt  }
0x7c: {  	_ =	shalt  }
0x7d: {  	_ =	shalt  }
0x7e: {  	_ =	shalt  }
0x7f: {  	_ =	shalt  }
0x80: {  	_ =	shalt  }
0x81: {  	_ =	shalt  }
0x82: {  	_ =	shalt  }
0x83: {  	_ =	shalt  }
0x84: {  	_ =	shalt  }
0x85: {  	_ =	shalt  }
0x86: {  	_ =	shalt  }
0x87: {  	_ =	shalt  }
.Lfunc_end0:
.L_simem_size_0:
called_computation_lowered:
.L_overlay_start_0:
0x88: {  	s2 =	sld [smem:$0x3FD9]  }
0x89: {  	s3 =	sld [smem:$0x3FFE];
	_ =	sdelay $0x1  }
0x8a: {  	s1 =	srdreg.scid  }
0x8b: {  	s0 =	sand.u32 $0x1, s1  }
0x8c: {  	s17 =	sshll.u32 s0, $0xA;
	s2 =	sadd.s32 s3, s2  }
0x8d: {  	s2 =	sadd.s32 s2, s17  }
0x8e: {  	[smem:$0x3FC0] =	sst s2  }
0x8f: {  	_ = 	snop  }
0x90: {  	s2 =	sld [smem:$0x3FC9];
	(tm) =	ssettm $0x1  }
0x91: {  	s18 =	sld [smem:$0x3FFB];
	_ =	sdelay $0x3  }
0x92: {  	_ =	strace s18  }
0x93: {  	s3 =	sld [smem:$0x3FFC];
	_ =	sdelay $0x3  }
0x94: {  	_ =	strace s3  }
0x95: {  	s3 =	sld [smem:$0x3FFD];
	_ =	sdelay $0x3  }
0x96: {  	_ =	strace s3  }
0x97: {  	_ =	strace $0x8FFFFFFF  }
0x98: {  	s19 =	sld [smem:$0x3FDB];
	_ =	sdelay $0x1  }
0x99: {  	s4 =	simm.s32 $_scs_section_size  }
0x9a: {  	s5 =	simm.s32 $_size__tile_overlayer_lowered;
	s6 =	simm.s32 $_tile_overlayer_lowered  }
0x9b: {  	s22 =	simm.s32 $0x1BFF;
	s21 =	sshll.u32 s6, $0x1;
	s3 =	sadd.s32 s4, s19  }
0x9c: {  	s7 =	simm.s32 $0x0;
	s20 =	sshll.u32 s5, $0x1;
	s5 =	sadd.s32 s21, s3  }
0x9d: {  	[timem:s7], [sflag:s22] =	dma.local [hbm:s5], s20  }
0x9e: {  	_ =	swait.ge [sflag:s22], s20  }
0x9f: {  	s4 =	ssub.s32 $0x0, s20;
	[sflag:s22] =	ssyncset.done $0x0  }
0xa0: {  	[sflag:s22] =	ssyncadd.s32 s4;
	_ =	sdelay $0x1  }
0xa1: {  	s23 =	simm.s32 $0x1B8B  }
0xa2: {  	_ =	swait.ge [sflag:s23], $0x1  }
0xa3: {  	[sflag:s23] =	ssyncset.done $0x0  }
0xa4: {  	s25 =	simm.s32 $0x1B8E;
	s24 =	sld [smem:$0x3FFE];
	[sflag:s23] =	ssyncadd.s32 $0xFFFFFFFF  }
0xa5: {  	s26 =	simm.s32 $execute0_lowered;
	[smem:$0x3FD2] =	sst s25  }
0xa6: {  	s5 =	sshll.u32 s26, $0x1;
	_ =	strace $0x80000046;
	[dreg:$0x1] =	wrdreg $0xFFFFFFFF  }
0xa7: {  	s28 =	simm.s32 $_size_execute0_lowered;
	s3 =	sadd.s32 s3, s5;
	[dreg:$0x0] =	wrdreg $0x0  }
0xa8: {  	s5 =	sshll.u32 s28, $0x1;
	[dreg:$0x2] =	wrdreg s3  }
0xa9: {  	[dreg:$0x3] =	wrdreg s5  }
0xaa: {  	[dreg:$0x4] =	wrdreg $0xC0  }
0xab: {  	_ =	task [dreg:s7], $0x5FFFF  }
0xac: {  	[dreg:$0x1] =	wrdreg $0xFFFFFFFF  }
0xad: {  	[dreg:$0x0] =	wrdreg $0x60  }
0xae: {  	[dreg:$0x2] =	wrdreg s2  }
0xaf: {  	[dreg:$0x3] =	wrdreg s24  }
0xb0: {  	[dreg:$0x4] =	wrdreg $0xA3000  }
0xb1: {  	[dreg:$0x5] =	wrdreg $0x9  }
0xb2: {  	_ =	task.clear_ibuf [dreg:s7], $0x6FFFF;
	_ =	strace $0x90000046  }
0xb3: {  	s29 =	simm.s32 $0x9;
	_ =	strace $0x80000048  }
0xb4: {  	_ =	swait.ge [sflag:s29], $0x1  }
0xb5: {  	[sflag:s29] =	ssyncadd.s32 $0xFFFFFFFF  }
0xb6: {  	_ =	strace $0x90000048  }
0xb7: {  	_ =	sfence  }
0xb8: {  	s30 =	sld [smem:$0x0];
	_ =	sdelay $0x2  }
0xb9: {  	s31 =	sshll.u32 s1, $0xD;
	s1 =	sshrl.u32 s1, $0x2  }
0xba: {  	s3 =	sand.u32 $0x4000, s31;
	s1 =	sadd.s32 s1, s30  }
0xbb: {  	s0 =	sor.u32 s3, s0;
	s1 =	sshll.u32 s1, $0x11  }
0xbc: {  	s0 =	sor.u32 s1, s0  }
0xbd: {  	s0 =	sadd.s32 $0x8F2B, s0  }
0xbe: {  	[sflag:s0] =	ssyncadd.remote.s32 $0x1  }
0xbf: {  	_ =	sfence.sel $0xFFFF  }
0xc0: {  	[dreg:$0x0] =	wrdreg $0xFFFFFFFF;
	(pc) =	sbr.abs _section_cstart, $3  }
0xc1: {  	[dreg:$0x1] =	wrdreg $0xFFFFFFFF  }
0xc2: {  	_ =	task.clear_ibuf [dreg:s7], $0x2FFFF;
	_ =	strace $0x9FFFFFFF  }
0xc3: {  	(tm) =	ssettm $0x7FFFFFFF  }
tec
execute0_lowered:
.L_overlay_start_1:
0x0: {  	(tag) =	ssettag $0x1  }
0x1: {  	s1 =	rddreg [dreg:$0x0]  }
0x2: {  	s8 =	rddreg [dreg:$0x1]  }
0x3: {  	s0 =	srdreg.scid;
	s3 =	rddreg [dreg:$0x2]  }
0x4: {  	s2 =	rddreg [dreg:$0x3];
	s4 =	simm.s32 $0x0;
	s18 =	simm.s32 $0x2  }
0x5: {  	s19 =	simm.s32 $0x180;
	s20 =	simm.s32 $0x140;
	s7 =	sand.u32 $0x1, s0  }
0x6: {  	s21 =	simm.s32 $0x300;
	s0 =	stileid.u32;
	s5 =	smul.u32 $0x28000, s7  }
0x7: {  	s22 =	simm.s32 $0x1;
	[smem:$0x7FF] =	sst s4;
	s6 =	smul.u32 $0x2800, s0  }
0x8: {  	s11 =	sadd.s32 $0x19C00, s8;
	s13 =	sadd.s32 $0x67E00, s8;
	s9 =	smul.u32 $0x4F000, s0  }
0x9: {  	s23 =	simm.s32 $0x0;
	_ =	strace $0x80000047;
	s10 =	smul.u32 $0x138800, s7  }
0xa: {  	s7 =	ssub.s32 $0x2, s7;
	s12 =	smul.u32 $0x13C00, s0;
	s31 =	sshll.u32 s0, $0x6  }
0xb: {  	p0 =	seq.s32 s0, $0xF;
	s29 =	sshrl.u32 s7, $0x1;
	s5 =	sadd.s32 s6, s5  }
0xc: {  	s6 =	sadd.s32 $0x16000, s8;
	s9 =	sshrl.u32 s9, $0x2;
	s14 =	ssub.s32 s7, s29  }
0xd: {  	s30 =	sadd.s32 s12, s10;
	s10 =	sshrl.u32 s10, $0x3;
	s5 =	sshrl.u32 s5, $0x3  }
0xe: {  	s7 =	sadd.s32 s9, s3;
	s12 =	sshrl.u32 s30, $0x3;
	s15 =	sadd.s32 $0x25080, s10  }
0xf: {  	s14 =	smax.u32 s14, $0x1;
	s16 =	sadd.s32 s5, s8;
	s5 =	sadd.s32 $0x17400, s8  }
0x10: {  	s8 =	sor.u32 $0x1C02, s31;
	s9 =	sadd.s32 s11, s12;
	s10 =	sadd.s32 s11, s15  }
0x11: {  	s11 =	sadd.s32 $0x128400, s3;
	s12 =	sadd.s32 s13, s12;
	s13 =	sadd.s32 s13, s15  }
0x12: {  	s17 =	sshrl.u32 s7, $0x3;
	s15 =	sadd.s32 $0x2000, s16;
	s16 =	sadd.s32 $0xC000, s16  }
.LBB2_1:
0x13: {  	[spmem:s17], [sflag:s8] =	dma.local [hbm:s5], $0x2780  }
0x14: {  	_ =	swait.ge [sflag:s18], $0x2780  }
0x15: {  	[sflag:s18] =	ssyncset.done $0x0  }
0x16: {  	[sflag:s18] =	ssyncadd.s32 $0xFFFFD880  }
0x17: {  	s24 =	sadd.s32 $0x0, s16;
	[bflag:$0x0] =	sbarrier.arrive $0xFFFF  }
0x18: {  	[tilespmem:s4], [sflag:$0x2] =	stream.linear.gather [hbm4b:s24+s4], $0x140, $0x38;
	[tilespmem:$0x1DF00] =	vst v63  }
0x19: {  	_ =	swait.ge [sflag:s18], $0x140  }
0x1a: {  	[sflag:s18] =	ssyncset.done $0x0  }
0x1b: {  	s31 =	sadd.s32 $0x0, s15;
	[sflag:s18] =	ssyncadd.s32 $0xFFFFFEC0  }
0x1c: {  	[tilespmem:s19], [sflag:$0x2] =	stream.linear.gather [hbm4b:s31+s4], $0x140, $0x38;
	[tilespmem:$0x1DF00] =	vst v63  }
0x1d: {  	_ =	swait.ge [sflag:s18], $0x140  }
0x1e: {  	[sflag:s18] =	ssyncset.done $0x0  }
0x1f: {  	[sflag:s18] =	ssyncadd.s32 $0xFFFFFEC0  }
0x20: {  	[tilespmem:s21], [sflag:$0x1] =	stream.indirect.gather [hbm4b:s1+s20], $0x80, s4, s20, $0xb8;
	[tilespmem:$0x1DF00] =	vst v63  }
0x21: {  	_ =	swait.ge [sflag:s22], $0xA000  }
0x22: {  	[sflag:s22] =	ssyncset.done $0x0  }
0x23: {  	[sflag:s22] =	ssyncadd.s32 $0xFFFF6000  }
0x24: {  	[spmem:s3] =	stream.indirect.scatter.add.f32 [tilespmem:s21], [sflag:$0x2], $0x80, s19, s20, $0xb8;
	[tilespmem:$0x1DF00] =	vst v63  }
0x25: {  	_ =	swait.ge [sflag:s18], $0xA000  }
0x26: {  	s25 =	simm.s32 $0x50;
	s24 =	simm.s32 $0x28;
	[sflag:s18] =	ssyncset.done $0x0  }
.LBB2_2:
0x27: {  	s26 =	sadd.s32 s24, s16  }
0x28: {  	[sflag:s18] =	ssyncadd.s32 $0xFFFF6000;
	s28 =	smov.u32 s25;
	s29 =	sadd.s32 $0x28, s25  }
0x29: {  	[tilespmem:s4], [sflag:$0x2] =	stream.linear.gather [hbm4b:s26+s4], $0x140, $0x38;
	[tilespmem:$0x1DF00] =	vst v63  }
0x2a: {  	p1 =	sne.s32 s25, $0x4D8;
	_ =	swait.ge [sflag:s18], $0x140  }
0x2b: {  	[sflag:s18] =	ssyncset.done $0x0  }
0x2c: {  	s25 =	sadd.s32 s24, s15;
	s24 =	smov.u32 s28;
	[sflag:s18] =	ssyncadd.s32 $0xFFFFFEC0  }
0x2d: {  	[tilespmem:s19], [sflag:$0x2] =	stream.linear.gather [hbm4b:s25+s4], $0x140, $0x38;
	[tilespmem:$0x1DF00] =	vst v63  }
0x2e: {  	_ =	swait.ge [sflag:s18], $0x140  }
0x2f: {  	[sflag:s18] =	ssyncset.done $0x0  }
0x30: {  	[sflag:s18] =	ssyncadd.s32 $0xFFFFFEC0  }
0x31: {  	[tilespmem:s21], [sflag:$0x1] =	stream.indirect.gather [hbm4b:s1+s20], $0x80, s4, s20, $0xb8;
	[tilespmem:$0x1DF00] =	vst v63  }
0x32: {  	_ =	swait.ge [sflag:s22], $0xA000  }
.Ltmp0:
0x33: {  	[sflag:s22] =	ssyncset.done $0x0;
	(pc) =	sbr.rel @p1 .LBB2_2-.Ltmp0, $4  }
0x34: {  	[sflag:s22] =	ssyncadd.s32 $0xFFFF6000  }
0x35: {  	[spmem:s3] =	stream.indirect.scatter.add.f32 [tilespmem:s21], [sflag:$0x2], $0x80, s19, s20, $0xb8;
	[tilespmem:$0x1DF00] =	vst v63  }
0x36: {  	_ =	swait.ge [sflag:s18], $0xA000  }
0x37: {  	s25 =	smov.u32 s29;
	[sflag:s18] =	ssyncset.done $0x0  }
0x38: {  	s25 =	sadd.s32 s24, s16;
	[sflag:s18] =	ssyncadd.s32 $0xFFFF6000  }
0x39: {  	[tilespmem:s4], [sflag:$0x2] =	stream.linear.gather [hbm4b:s25+s4], $0x140, $0x38;
	[tilespmem:$0x1DF00] =	vst v63  }
0x3a: {  	_ =	swait.ge [sflag:s18], $0x140  }
0x3b: {  	[sflag:s18] =	ssyncset.done $0x0  }
0x3c: {  	s29 =	sadd.s32 s24, s15;
	[sflag:s18] =	ssyncadd.s32 $0xFFFFFEC0  }
0x3d: {  	[tilespmem:s19], [sflag:$0x2] =	stream.linear.gather [hbm4b:s29+s4], $0x140, $0x38;
	[tilespmem:$0x1DF00] =	vst v63  }
0x3e: {  	_ =	swait.ge [sflag:s18], $0x140  }
0x3f: {  	[sflag:s18] =	ssyncset.done $0x0  }
0x40: {  	[sflag:s18] =	ssyncadd.s32 $0xFFFFFEC0  }
0x41: {  	[tilespmem:s21], [sflag:$0x1] =	stream.indirect.gather [hbm4b:s1+s20], $0x80, s4, s20, $0xb8;
	[tilespmem:$0x1DF00] =	vst v63  }
0x42: {  	_ =	swait.ge [sflag:s22], $0xA000  }
0x43: {  	[sflag:s22] =	ssyncset.done $0x0  }
0x44: {  	[sflag:s22] =	ssyncadd.s32 $0xFFFF6000  }
0x45: {  	[spmem:s3] =	stream.indirect.scatter.add.f32 [tilespmem:s21], [sflag:$0x2], $0x80, s19, s20, $0xb8;
	[tilespmem:$0x1DF00] =	vst v63  }
0x46: {  	_ =	swait.ge [sflag:s18], $0xA000  }
0x47: {  	[sflag:s18] =	ssyncset.done $0x0  }
0x48: {  	[sflag:s18] =	ssyncadd.s32 $0xFFFF6000  }
0x49: {  	s24 =	sshrl.u32 @p0 s11, $0x3;
	s25 =	simm.s32 @p0 $0x2;
	[bflag:$0x0] =	sbarrier.arrive $0xFFFF  }
0x4a: {  	[hbm:s10], [sflag:s8] =	dma.local @p0 [spmem:s24], $0x2080  }
0x4b: {  	_ =	swait.ge @p0 [sflag:s25], $0x2080  }
0x4c: {  	[sflag:s25] =	ssyncset.done @p0 $0x0  }
0x4d: {  	s26 =	simm.s32 @!p0 $0x2;
	[sflag:s25] =	ssyncadd.s32 @p0 $0xFFFFDF80;
	s25 =	sshrl.u32 @!p0 s7, $0x3  }
0x4e: {  	[hbm:s9], [sflag:s8] =	dma.local @!p0 [spmem:s25], $0x2780  }
0x4f: {  	_ =	swait.ge @!p0 [sflag:s26], $0x2780  }
0x50: {  	[sflag:s26] =	ssyncset.done @!p0 $0x0  }
0x51: {  	[sflag:s26] =	ssyncadd.s32 @!p0 $0xFFFFD880  }
0x52: {  	[spmem:s17], [sflag:s8] =	dma.local [hbm:s5], $0x2780  }
0x53: {  	_ =	swait.ge [sflag:s18], $0x2780  }
0x54: {  	[sflag:s18] =	ssyncset.done $0x0  }
0x55: {  	s30 =	simm.s32 $0x0;
	[sflag:s18] =	ssyncadd.s32 $0xFFFFD880  }
0x56: {  	[tilespmem:s21], [sflag:$0x2] =	stream.linear.gather [hbm4b:s6+s30], $0xA000, $0x38;
	[tilespmem:$0x1DF00] =	vst v63  }
0x57: {  	_ =	swait.ge [sflag:s18], $0xA000  }
0x58: {  	[sflag:s18] =	ssyncset.done $0x0  }
0x59: {  	[sflag:s18] =	ssyncadd.s32 $0xFFFF6000  }
0x5a: {  	s31 =	sadd.s32 $0x0, s15;
	[bflag:$0x0] =	sbarrier.arrive $0xFFFF  }
0x5b: {  	[tilespmem:s19], [sflag:$0x2] =	stream.linear.gather [hbm4b:s31+s4], $0x140, $0x38;
	[tilespmem:$0x1DF00] =	vst v63  }
0x5c: {  	_ =	swait.ge [sflag:s18], $0x140  }
0x5d: {  	[sflag:s18] =	ssyncset.done $0x0  }
0x5e: {  	[sflag:s18] =	ssyncadd.s32 $0xFFFFFEC0  }
0x5f: {  	[spmem:s3] =	stream.indirect.scatter.add.f32 [tilespmem:s21], [sflag:$0x2], $0x80, s19, s20, $0xb8;
	[tilespmem:$0x1DF00] =	vst v63  }
0x60: {  	_ =	swait.ge [sflag:s18], $0xA000  }
0x61: {  	s28 =	simm.s32 $0x50;
	s26 =	simm.s32 $0x28;
	[sflag:s18] =	ssyncset.done $0x0  }
.LBB2_4:
0x62: {  	s29 =	sadd.s32 s26, s15  }
0x63: {  	[sflag:s18] =	ssyncadd.s32 $0xFFFF6000;
	s26 =	smov.u32 s28;
	s30 =	sadd.s32 $0x28, s28  }
0x64: {  	[tilespmem:s19], [sflag:$0x2] =	stream.linear.gather [hbm4b:s29+s4], $0x140, $0x38;
	[tilespmem:$0x1DF00] =	vst v63  }
0x65: {  	p1 =	sne.s32 s28, $0x4D8;
	_ =	swait.ge [sflag:s18], $0x140  }
.Ltmp1:
0x66: {  	[sflag:s18] =	ssyncset.done $0x0;
	(pc) =	sbr.rel @p1 .LBB2_4-.Ltmp1, $4  }
0x67: {  	[sflag:s18] =	ssyncadd.s32 $0xFFFFFEC0  }
0x68: {  	[spmem:s3] =	stream.indirect.scatter.add.f32 [tilespmem:s21], [sflag:$0x2], $0x80, s19, s20, $0xb8;
	[tilespmem:$0x1DF00] =	vst v63  }
0x69: {  	_ =	swait.ge [sflag:s18], $0xA000  }
0x6a: {  	s28 =	smov.u32 s30;
	[sflag:s18] =	ssyncset.done $0x0  }
0x6b: {  	s26 =	sadd.s32 s26, s15;
	[sflag:s18] =	ssyncadd.s32 $0xFFFF6000  }
0x6c: {  	[tilespmem:s19], [sflag:$0x2] =	stream.linear.gather [hbm4b:s26+s4], $0x140, $0x38;
	[tilespmem:$0x1DF00] =	vst v63  }
0x6d: {  	_ =	swait.ge [sflag:s18], $0x140  }
0x6e: {  	[sflag:s18] =	ssyncset.done $0x0  }
0x6f: {  	[sflag:s18] =	ssyncadd.s32 $0xFFFFFEC0  }
0x70: {  	[spmem:s3] =	stream.indirect.scatter.add.f32 [tilespmem:s21], [sflag:$0x2], $0x80, s19, s20, $0xb8;
	[tilespmem:$0x1DF00] =	vst v63  }
0x71: {  	_ =	swait.ge [sflag:s18], $0xA000  }
0x72: {  	[sflag:s18] =	ssyncset.done $0x0  }
0x73: {  	[sflag:s18] =	ssyncadd.s32 $0xFFFF6000  }
0x74: {  	[bflag:$0x0] =	sbarrier.arrive $0xFFFF  }
0x75: {  	[hbm:s13], [sflag:s8] =	dma.local @p0 [spmem:s24], $0x2080  }
0x76: {  	s24 =	simm.s32 @p0 $0x2  }
0x77: {  	s23 =	sadd.s32 $0x1, s23;
	_ =	swait.ge @p0 [sflag:s24], $0x2080  }
0x78: {  	p1 =	sne.s32 s23, s14;
	[sflag:s24] =	ssyncset.done @p0 $0x0  }
.Ltmp2:
0x79: {  	[sflag:s24] =	ssyncadd.s32 @p0 $0xFFFFDF80;
	s24 =	simm.s32 @!p0 $0x2;
	(pc) =	sbr.rel @p1 .LBB2_1-.Ltmp2, $4  }
0x7a: {  	[hbm:s12], [sflag:s8] =	dma.local @!p0 [spmem:s25], $0x2780  }
0x7b: {  	_ =	swait.ge @!p0 [sflag:s24], $0x2780  }
0x7c: {  	[sflag:s24] =	ssyncset.done @!p0 $0x0  }
0x7d: {  	[sflag:s24] =	ssyncadd.s32 @!p0 $0xFFFFD880  }
0x7e: {  	_ =	sfence.sel $0x180000  }
0x7f: {  	[bflag:$0x0] =	sbarrier.arrive $0xFFFF  }
0x80: {  	p0 =	sne.s32 s0, $0x0;
	_ =	strace $0x90000047  }
0x81: {  	s0 =	sadd.s32 @!p0 $0x100000, s2;
	[bflag:$0x2] =	sbarrier.arrive $0xFFFF  }
0x82: {  	[sflag:s0] =	ssyncadd.tile.s32 @!p0 $0x1;
	_ =	shalt  }
.Lfunc_end2:
_tile_overlayer_lowered:
.L_overlay_start_2:
0x83: {  	(tag) =	ssettag $0x2  }
0x84: {  	s0 =	rddreg [dreg:$0x0];
	s2 =	stileid.u32  }
0x85: {  	s1 =	rddreg [dreg:$0x1];
	p0 =	sne.s32 s2, $0x0  }
0x86: {  	s3 =	rddreg [dreg:$0x2];
	[bflag:$0x3] =	sbarrier.arrive $0xFFFF;
	s2 =	simm.s32 @!p0 $0x1C02  }
0x87: {  	[timem:s3], [sflag:s2] =	dma.local @!p0 [hbm:s0], s1  }
0x88: {  	s0 =	simm.s32 @!p0 $0x2  }
0x89: {  	_ =	swait.ge @!p0 [sflag:s0], s1  }
0x8a: {  	s1 =	ssub.s32 @!p0 $0x0, s1;
	[sflag:s0] =	ssyncset.done @!p0 $0x0  }
0x8b: {  	[sflag:s0] =	ssyncadd.s32 @!p0 s1  }
0x8c: {  	[bflag:$0x3] =	sbarrier.arrive $0xFFFF  }
0x8d: {  	_ =	shalt  }

// kernel: kernel.9.cloned.1.call-start
scs
__scs_entry_jumppad:
0x0: {  	(pc) =	sbr.rel $0x88, $3  }
0x1: {  	(tag) =	ssettag $0x0;
	lr =	simm.s32 $0x1  }
0x2: {  	[smem:$0x3F99] =	sst lr;
	_ =	strace $0xD0000000  }
0x3: {  	_ = 	snop  }
0x4: {  	_ = 	snop  }
0x5: {  	_ = 	snop  }
0x6: {  	_ = 	snop  }
0x7: {  	_ = 	snop  }
__scs_overlays_trampoline_lowered:
0x8: {  	[smem:$0x3FA8] =	sst s0  }
0x9: {  	[smem:$0x3FA9] =	sst s1  }
0xa: {  	[smem:$0x3FAA] =	sst s2  }
0xb: {  	[smem:$0x3FAB] =	sst s3  }
0xc: {  	[smem:$0x3FAC] =	sst s4  }
0xd: {  	[smem:$0x3FAD] =	sst s5  }
0xe: {  	[smem:$0x3FAE] =	sst s6  }
0xf: {  	[smem:$0x3FAF] =	sst s7  }
0x10: {  	[smem:$0x3FB0] =	sst s8  }
0x11: {  	[smem:$0x3FB1] =	sst s9;
	s0 =	simm.s32 @!p0 $0x0  }
0x12: {  	s1 =	sld [smem:$0x3F97];
	s0 =	simm.s32 @p0 $0x1  }
0x13: {  	[smem:$0x3FB2] =	sst s0;
	s0 =	simm.s32 @!p1 $0x0  }
0x14: {  	s2 =	sld [smem:$0x3F96];
	s0 =	simm.s32 @p1 $0x1  }
0x15: {  	[smem:$0x3FB3] =	sst s0;
	s0 =	simm.s32 @!p2 $0x0  }
0x16: {  	s3 =	sld [smem:$0x3FDB];
	s0 =	simm.s32 @p2 $0x1  }
0x17: {  	s4 =	simm.s32 $0x1BF5;
	[smem:$0x3FB5] =	sst s0  }
0x18: {  	s0 =	sld [smem:$0x3F98];
	_ =	swait.ge [sflag:s4], $0x0  }
0x19: {  	s7 =	sld [smem:$0x3F99]  }
0x1a: {  	s8 =	sadd.s32 $0xFFFFE003, lr  }
0x1b: {  	s9 =	sadd.s32 $0xFFFFFEF7, lr;
	s5 =	simm.s32 $0xFFFFFFFF;
	p2 =	slt.u32 s8, $0xFFFFF086  }
0x1c: {  	p1 =	slt.u32 s9, $0xF7A;
	s5 =	simm.s32 @!p2 $0x0  }
0x1d: {  	s5 =	simm.s32 @p1 $0x1;
	p0 =	seq.s32 s7, s2  }
0x1e: {  	s7 =	smul.u32 @!p0 $0xF7A, s2;
	p2 =	seq.s32 @!p0 s5, $0x0  }
0x1f: {  	s9 =	smul.u32 $0xF7A, s1;
	s8 =	simm.s32 @!p0 $0x1BF5;
	p2 =	por !p2, p0  }
0x20: {  	[sflag:s8] =	ssyncset.s32 @!p0 $0xFFFFF086;
	s6 =	sadd.s32 @!p0 s3, s7;
	s7 =	simm.s32 @!p0 $0x108  }
0x21: {  	s3 =	sadd.s32 s3, s9;
	s6 =	sadd.s32 @!p0 $0x88, s6;
	s7 =	simm.s32 @p2 $0x1082  }
0x22: {  	[simem:s7], [sflag:s8] =	dma.local @!p0 [hbm:s6], $0xF7A  }
0x23: {  	s9 =	sor.u32 $0xD0000000, s2;
	s6 =	simm.s32 $0x108;
	_ =	swait.ge @!p0 [sflag:s8], $0x0  }
0x24: {  	s3 =	sadd.s32 $0x88, s3;
	s6 =	simm.s32 @!p1 $0x1082;
	[sflag:s4] =	ssyncset.s32 $0xFFFFF086  }
0x25: {  	[simem:s6], [sflag:s4] =	dma.local [hbm:s3], $0xF7A  }
0x26: {  	[smem:$0x3F99] =	sst s1;
	(tag) =	ssettag s2;
	_ =	strace s9  }
0x27: {  	s1 =	sld [smem:$0x3FA9]  }
0x28: {  	s2 =	sld [smem:$0x3FAA]  }
0x29: {  	s4 =	sld [smem:$0x3FAC]  }
0x2a: {  	p0 =	seq.s32 s5, $0x0;
	s5 =	sld [smem:$0x3FAD]  }
0x2b: {  	s6 =	sld [smem:$0x3FAE]  }
0x2c: {  	s7 =	sld [smem:$0x3FAF]  }
0x2d: {  	s3 =	simm.s32 $0x108;
	s8 =	sld [smem:$0x3FB0]  }
0x2e: {  	s3 =	simm.s32 @!p0 $0x1082;
	s9 =	sld [smem:$0x3FB1]  }
0x2f: {  	lr =	sadd.s32 s0, s3;
	s0 =	sld [smem:$0x3FA8]  }
0x30: {  	s3 =	sld [smem:$0x3FAB]  }
0x31: {  	[smem:$0x3FB4] =	sst s10  }
0x32: {  	s10 =	sld [smem:$0x3FB2];
	_ =	sdelay $0x3  }
0x33: {  	p0 =	seq.s32 s10, $0x1;
	s10 =	sld [smem:$0x3FB4];
	_ =	sdelay $0x3  }
0x34: {  	[smem:$0x3FB4] =	sst s10  }
0x35: {  	s10 =	sld [smem:$0x3FB3];
	_ =	sdelay $0x3  }
0x36: {  	p1 =	seq.s32 s10, $0x1;
	s10 =	sld [smem:$0x3FB4];
	_ =	sdelay $0x3  }
0x37: {  	[smem:$0x3FB4] =	sst s10  }
0x38: {  	s10 =	sld [smem:$0x3FB5]  }
0x39: {  	_ = 	snop;
	(pc) =	sbr.ind lr, $3  }
0x3a: {  	_ = 	snop  }
0x3b: {  	_ = 	snop  }
0x3c: {  	p2 =	seq.s32 s10, $0x1;
	s10 =	sld [smem:$0x3FB4]  }
0x3d: {  	_ =	shalt  }
0x3e: {  	_ =	shalt  }
0x3f: {  	_ =	shalt  }
0x40: {  	_ =	shalt  }
0x41: {  	_ =	shalt  }
0x42: {  	_ =	shalt  }
0x43: {  	_ =	shalt  }
0x44: {  	_ =	shalt  }
0x45: {  	_ =	shalt  }
0x46: {  	_ =	shalt  }
0x47: {  	_ =	shalt  }
0x48: {  	_ =	shalt  }
0x49: {  	_ =	shalt  }
0x4a: {  	_ =	shalt  }
0x4b: {  	_ =	shalt  }
0x4c: {  	_ =	shalt  }
0x4d: {  	_ =	shalt  }
0x4e: {  	_ =	shalt  }
0x4f: {  	_ =	shalt  }
0x50: {  	_ =	shalt  }
0x51: {  	_ =	shalt  }
0x52: {  	_ =	shalt  }
0x53: {  	_ =	shalt  }
0x54: {  	_ =	shalt  }
0x55: {  	_ =	shalt  }
0x56: {  	_ =	shalt  }
0x57: {  	_ =	shalt  }
0x58: {  	_ =	shalt  }
0x59: {  	_ =	shalt  }
0x5a: {  	_ =	shalt  }
0x5b: {  	_ =	shalt  }
0x5c: {  	_ =	shalt  }
0x5d: {  	_ =	shalt  }
0x5e: {  	_ =	shalt  }
0x5f: {  	_ =	shalt  }
0x60: {  	_ =	shalt  }
0x61: {  	_ =	shalt  }
0x62: {  	_ =	shalt  }
0x63: {  	_ =	shalt  }
0x64: {  	_ =	shalt  }
0x65: {  	_ =	shalt  }
0x66: {  	_ =	shalt  }
0x67: {  	_ =	shalt  }
0x68: {  	_ =	shalt  }
0x69: {  	_ =	shalt  }
0x6a: {  	_ =	shalt  }
0x6b: {  	_ =	shalt  }
0x6c: {  	_ =	shalt  }
0x6d: {  	_ =	shalt  }
0x6e: {  	_ =	shalt  }
0x6f: {  	_ =	shalt  }
0x70: {  	_ =	shalt  }
0x71: {  	_ =	shalt  }
0x72: {  	_ =	shalt  }
0x73: {  	_ =	shalt  }
0x74: {  	_ =	shalt  }
0x75: {  	_ =	shalt  }
0x76: {  	_ =	shalt  }
0x77: {  	_ =	shalt  }
0x78: {  	_ =	shalt  }
0x79: {  	_ =	shalt  }
0x7a: {  	_ =	shalt  }
0x7b: {  	_ =	shalt  }
0x7c: {  	_ =	shalt  }
0x7d: {  	_ =	shalt  }
0x7e: {  	_ =	shalt  }
0x7f: {  	_ =	shalt  }
0x80: {  	_ =	shalt  }
0x81: {  	_ =	shalt  }
0x82: {  	_ =	shalt  }
0x83: {  	_ =	shalt  }
0x84: {  	_ =	shalt  }
0x85: {  	_ =	shalt  }
0x86: {  	_ =	shalt  }
0x87: {  	_ =	shalt  }
.Lfunc_end0:
.L_simem_size_0:
called_computation.1_lowered:
.L_overlay_start_0:
0x88: {  	s2 =	sld [smem:$0x3FD9]  }
0x89: {  	s3 =	sld [smem:$0x3FFE];
	_ =	sdelay $0x1  }
0x8a: {  	s1 =	srdreg.scid  }
0x8b: {  	s0 =	sand.u32 $0x1, s1  }
0x8c: {  	s17 =	sshll.u32 s0, $0xA;
	s2 =	sadd.s32 s3, s2  }
0x8d: {  	s2 =	sadd.s32 s2, s17  }
0x8e: {  	[smem:$0x3FC0] =	sst s2  }
0x8f: {  	_ = 	snop  }
0x90: {  	s2 =	sld [smem:$0x3FD0];
	(tm) =	ssettm $0x1  }
0x91: {  	s18 =	sld [smem:$0x3FFB];
	_ =	sdelay $0x3  }
0x92: {  	_ =	strace s18  }
0x93: {  	s3 =	sld [smem:$0x3FFC];
	_ =	sdelay $0x3  }
0x94: {  	_ =	strace s3  }
0x95: {  	s3 =	sld [smem:$0x3FFD];
	_ =	sdelay $0x3  }
0x96: {  	_ =	strace s3  }
0x97: {  	_ =	strace $0x8FFFFFFF  }
0x98: {  	s19 =	sld [smem:$0x3FDB];
	_ =	sdelay $0x1  }
0x99: {  	s4 =	simm.s32 $_scs_section_size  }
0x9a: {  	s5 =	simm.s32 $_size__tile_overlayer_lowered;
	s6 =	simm.s32 $_tile_overlayer_lowered  }
0x9b: {  	s22 =	simm.s32 $0x1BFF;
	s21 =	sshll.u32 s6, $0x1;
	s3 =	sadd.s32 s4, s19  }
0x9c: {  	s7 =	simm.s32 $0x0;
	s20 =	sshll.u32 s5, $0x1;
	s5 =	sadd.s32 s21, s3  }
0x9d: {  	[timem:s7], [sflag:s22] =	dma.local [hbm:s5], s20  }
0x9e: {  	_ =	swait.ge [sflag:s22], s20  }
0x9f: {  	s4 =	ssub.s32 $0x0, s20;
	[sflag:s22] =	ssyncset.done $0x0  }
0xa0: {  	[sflag:s22] =	ssyncadd.s32 s4;
	_ =	sdelay $0x1  }
0xa1: {  	s23 =	simm.s32 $0x1B8B  }
0xa2: {  	_ =	swait.ge [sflag:s23], $0x1  }
0xa3: {  	[sflag:s23] =	ssyncset.done $0x0  }
0xa4: {  	s25 =	simm.s32 $0x1B8E;
	s24 =	sld [smem:$0x3FFE];
	[sflag:s23] =	ssyncadd.s32 $0xFFFFFFFF  }
0xa5: {  	s26 =	simm.s32 $execute0_lowered;
	[smem:$0x3FD2] =	sst s25  }
0xa6: {  	s5 =	sshll.u32 s26, $0x1;
	_ =	strace $0x80000049;
	[dreg:$0x1] =	wrdreg $0xFFFFFFFF  }
0xa7: {  	s28 =	simm.s32 $_size_execute0_lowered;
	s3 =	sadd.s32 s3, s5;
	[dreg:$0x0] =	wrdreg $0x0  }
0xa8: {  	s5 =	sshll.u32 s28, $0x1;
	[dreg:$0x2] =	wrdreg s3  }
0xa9: {  	[dreg:$0x3] =	wrdreg s5  }
0xaa: {  	[dreg:$0x4] =	wrdreg $0xC0  }
0xab: {  	_ =	task [dreg:s7], $0x5FFFF  }
0xac: {  	[dreg:$0x1] =	wrdreg $0xFFFFFFFF  }
0xad: {  	[dreg:$0x0] =	wrdreg $0x60  }
0xae: {  	[dreg:$0x2] =	wrdreg s2  }
0xaf: {  	[dreg:$0x3] =	wrdreg s24  }
0xb0: {  	[dreg:$0x4] =	wrdreg $0xA3000  }
0xb1: {  	[dreg:$0x5] =	wrdreg $0x9  }
0xb2: {  	_ =	task.clear_ibuf [dreg:s7], $0x6FFFF;
	_ =	strace $0x90000049  }
0xb3: {  	s29 =	simm.s32 $0x9;
	_ =	strace $0x8000004B  }
0xb4: {  	_ =	swait.ge [sflag:s29], $0x1  }
0xb5: {  	[sflag:s29] =	ssyncadd.s32 $0xFFFFFFFF  }
0xb6: {  	_ =	strace $0x9000004B  }
0xb7: {  	_ =	sfence  }
0xb8: {  	s30 =	sld [smem:$0x0];
	_ =	sdelay $0x2  }
0xb9: {  	s31 =	sshll.u32 s1, $0xD;
	s1 =	sshrl.u32 s1, $0x2  }
0xba: {  	s3 =	sand.u32 $0x4000, s31;
	s1 =	sadd.s32 s1, s30  }
0xbb: {  	s0 =	sor.u32 s3, s0;
	s1 =	sshll.u32 s1, $0x11  }
0xbc: {  	s0 =	sor.u32 s1, s0  }
0xbd: {  	s0 =	sadd.s32 $0x8F2B, s0  }
0xbe: {  	[sflag:s0] =	ssyncadd.remote.s32 $0x1  }
0xbf: {  	_ =	sfence.sel $0xFFFF  }
0xc0: {  	[dreg:$0x0] =	wrdreg $0xFFFFFFFF;
	(pc) =	sbr.abs _section_cstart, $3  }
0xc1: {  	[dreg:$0x1] =	wrdreg $0xFFFFFFFF  }
0xc2: {  	_ =	task.clear_ibuf [dreg:s7], $0x2FFFF;
	_ =	strace $0x9FFFFFFF  }
0xc3: {  	(tm) =	ssettm $0x7FFFFFFF  }
tec
execute0_lowered:
.L_overlay_start_1:
0x0: {  	(tag) =	ssettag $0x1  }
0x1: {  	s1 =	rddreg [dreg:$0x0]  }
0x2: {  	s7 =	rddreg [dreg:$0x1]  }
0x3: {  	s3 =	rddreg [dreg:$0x2]  }
0x4: {  	s0 =	srdreg.scid;
	s2 =	rddreg [dreg:$0x3]  }
0x5: {  	s4 =	simm.s32 $0x0;
	s14 =	simm.s32 $0x180;
	s6 =	sand.u32 $0x1, s0  }
0x6: {  	s15 =	simm.s32 $0x140;
	s0 =	stileid.u32;
	s5 =	smul.u32 $0x28000, s6  }
0x7: {  	s16 =	simm.s32 $0x300;
	s17 =	simm.s32 $0x1;
	s8 =	smul.u32 $0x2800, s0  }
0x8: {  	[smem:$0x7FF] =	sst s4;
	s12 =	sadd.s32 $0x19C00, s7;
	s25 =	smul.u32 $0x4F000, s0  }
0x9: {  	s20 =	simm.s32 $0x0;
	s18 =	sadd.s32 $0x128400, s3;
	s9 =	smul.u32 $0x138800, s6  }
0xa: {  	_ =	strace $0x8000004A;
	s6 =	ssub.s32 $0x2, s6;
	s10 =	smul.u32 $0x13C00, s0  }
0xb: {  	s29 =	sshll.u32 s0, $0x6;
	p0 =	seq.s32 s0, $0xF;
	s26 =	sshrl.u32 s6, $0x1  }
0xc: {  	s18 =	sshrl.u32 @p0 s18, $0x3;
	s5 =	sadd.s32 s8, s5;
	s8 =	sshrl.u32 s25, $0x2  }
0xd: {  	s13 =	ssub.s32 s6, s26;
	s28 =	sadd.s32 s10, s9;
	s9 =	sshrl.u32 s9, $0x3  }
0xe: {  	s6 =	sor.u32 $0x1C02, s29;
	s5 =	sshrl.u32 s5, $0x3;
	s19 =	sadd.s32 s8, s3  }
0xf: {  	s30 =	sshrl.u32 s28, $0x3;
	s31 =	sadd.s32 s12, s9;
	s9 =	smax.u32 s13, $0x1  }
0x10: {  	s13 =	simm.s32 $0x2;
	s11 =	sadd.s32 s5, s7;
	s5 =	sadd.s32 $0x17400, s7  }
0x11: {  	s7 =	sadd.s32 s12, s30;
	s8 =	sadd.s32 $0x25080, s31;
	s12 =	sshrl.u32 s19, $0x3  }
0x12: {  	s19 =	sshrl.u32 @!p0 s19, $0x3;
	s10 =	sadd.s32 $0x2000, s11;
	s11 =	sadd.s32 $0xC000, s11  }
.LBB2_1:
0x13: {  	[spmem:s12], [sflag:s6] =	dma.local [hbm:s5], $0x2780  }
0x14: {  	_ =	swait.ge [sflag:s13], $0x2780  }
0x15: {  	[sflag:s13] =	ssyncset.done $0x0  }
0x16: {  	[sflag:s13] =	ssyncadd.s32 $0xFFFFD880  }
0x17: {  	s21 =	sadd.s32 $0x0, s11;
	[bflag:$0x0] =	sbarrier.arrive $0xFFFF  }
0x18: {  	[tilespmem:s4], [sflag:$0x2] =	stream.linear.gather [hbm4b:s21+s4], $0x140, $0x38;
	[tilespmem:$0x1DF00] =	vst v63  }
0x19: {  	_ =	swait.ge [sflag:s13], $0x140  }
0x1a: {  	[sflag:s13] =	ssyncset.done $0x0  }
0x1b: {  	s31 =	sadd.s32 $0x0, s10;
	[sflag:s13] =	ssyncadd.s32 $0xFFFFFEC0  }
0x1c: {  	[tilespmem:s14], [sflag:$0x2] =	stream.linear.gather [hbm4b:s31+s4], $0x140, $0x38;
	[tilespmem:$0x1DF00] =	vst v63  }
0x1d: {  	_ =	swait.ge [sflag:s13], $0x140  }
0x1e: {  	[sflag:s13] =	ssyncset.done $0x0  }
0x1f: {  	[sflag:s13] =	ssyncadd.s32 $0xFFFFFEC0  }
0x20: {  	[tilespmem:s16], [sflag:$0x1] =	stream.indirect.gather [hbm4b:s1+s15], $0x80, s4, s15, $0xb8;
	[tilespmem:$0x1DF00] =	vst v63  }
0x21: {  	_ =	swait.ge [sflag:s17], $0xA000  }
0x22: {  	[sflag:s17] =	ssyncset.done $0x0  }
0x23: {  	[sflag:s17] =	ssyncadd.s32 $0xFFFF6000  }
0x24: {  	[spmem:s3] =	stream.indirect.scatter.add.f32 [tilespmem:s16], [sflag:$0x2], $0x80, s14, s15, $0xb8;
	[tilespmem:$0x1DF00] =	vst v63  }
0x25: {  	_ =	swait.ge [sflag:s13], $0xA000  }
0x26: {  	s22 =	simm.s32 $0x50;
	s21 =	simm.s32 $0x28;
	[sflag:s13] =	ssyncset.done $0x0  }
.LBB2_2:
0x27: {  	s23 =	sadd.s32 s21, s11  }
0x28: {  	[sflag:s13] =	ssyncadd.s32 $0xFFFF6000;
	s24 =	smov.u32 s22;
	s25 =	sadd.s32 $0x28, s22  }
0x29: {  	[tilespmem:s4], [sflag:$0x2] =	stream.linear.gather [hbm4b:s23+s4], $0x140, $0x38;
	[tilespmem:$0x1DF00] =	vst v63  }
0x2a: {  	p1 =	sne.s32 s22, $0x4D8;
	_ =	swait.ge [sflag:s13], $0x140  }
0x2b: {  	[sflag:s13] =	ssyncset.done $0x0  }
0x2c: {  	s22 =	sadd.s32 s21, s10;
	s21 =	smov.u32 s24;
	[sflag:s13] =	ssyncadd.s32 $0xFFFFFEC0  }
0x2d: {  	[tilespmem:s14], [sflag:$0x2] =	stream.linear.gather [hbm4b:s22+s4], $0x140, $0x38;
	[tilespmem:$0x1DF00] =	vst v63  }
0x2e: {  	_ =	swait.ge [sflag:s13], $0x140  }
0x2f: {  	[sflag:s13] =	ssyncset.done $0x0  }
0x30: {  	[sflag:s13] =	ssyncadd.s32 $0xFFFFFEC0  }
0x31: {  	[tilespmem:s16], [sflag:$0x1] =	stream.indirect.gather [hbm4b:s1+s15], $0x80, s4, s15, $0xb8;
	[tilespmem:$0x1DF00] =	vst v63  }
0x32: {  	_ =	swait.ge [sflag:s17], $0xA000  }
.Ltmp0:
0x33: {  	[sflag:s17] =	ssyncset.done $0x0;
	(pc) =	sbr.rel @p1 .LBB2_2-.Ltmp0, $4  }
0x34: {  	[sflag:s17] =	ssyncadd.s32 $0xFFFF6000  }
0x35: {  	[spmem:s3] =	stream.indirect.scatter.add.f32 [tilespmem:s16], [sflag:$0x2], $0x80, s14, s15, $0xb8;
	[tilespmem:$0x1DF00] =	vst v63  }
0x36: {  	_ =	swait.ge [sflag:s13], $0xA000  }
0x37: {  	s22 =	smov.u32 s25;
	[sflag:s13] =	ssyncset.done $0x0  }
0x38: {  	s22 =	sadd.s32 s21, s11;
	[sflag:s13] =	ssyncadd.s32 $0xFFFF6000  }
0x39: {  	[tilespmem:s4], [sflag:$0x2] =	stream.linear.gather [hbm4b:s22+s4], $0x140, $0x38;
	[tilespmem:$0x1DF00] =	vst v63  }
0x3a: {  	_ =	swait.ge [sflag:s13], $0x140  }
0x3b: {  	[sflag:s13] =	ssyncset.done $0x0  }
0x3c: {  	s31 =	sadd.s32 s21, s10;
	[sflag:s13] =	ssyncadd.s32 $0xFFFFFEC0  }
0x3d: {  	[tilespmem:s14], [sflag:$0x2] =	stream.linear.gather [hbm4b:s31+s4], $0x140, $0x38;
	[tilespmem:$0x1DF00] =	vst v63  }
0x3e: {  	_ =	swait.ge [sflag:s13], $0x140  }
0x3f: {  	[sflag:s13] =	ssyncset.done $0x0  }
0x40: {  	[sflag:s13] =	ssyncadd.s32 $0xFFFFFEC0  }
0x41: {  	[tilespmem:s16], [sflag:$0x1] =	stream.indirect.gather [hbm4b:s1+s15], $0x80, s4, s15, $0xb8;
	[tilespmem:$0x1DF00] =	vst v63  }
0x42: {  	_ =	swait.ge [sflag:s17], $0xA000  }
0x43: {  	[sflag:s17] =	ssyncset.done $0x0  }
0x44: {  	[sflag:s17] =	ssyncadd.s32 $0xFFFF6000  }
0x45: {  	[spmem:s3] =	stream.indirect.scatter.add.f32 [tilespmem:s16], [sflag:$0x2], $0x80, s14, s15, $0xb8;
	[tilespmem:$0x1DF00] =	vst v63  }
0x46: {  	_ =	swait.ge [sflag:s13], $0xA000  }
0x47: {  	[sflag:s13] =	ssyncset.done $0x0  }
0x48: {  	[sflag:s13] =	ssyncadd.s32 $0xFFFF6000  }
0x49: {  	s21 =	simm.s32 @p0 $0x2;
	[bflag:$0x0] =	sbarrier.arrive $0xFFFF  }
0x4a: {  	[hbm:s8], [sflag:s6] =	dma.local @p0 [spmem:s18], $0x2080  }
0x4b: {  	s20 =	sadd.s32 $0x1, s20;
	_ =	swait.ge @p0 [sflag:s21], $0x2080  }
0x4c: {  	p1 =	sne.s32 s20, s9;
	[sflag:s21] =	ssyncset.done @p0 $0x0  }
.Ltmp1:
0x4d: {  	[sflag:s21] =	ssyncadd.s32 @p0 $0xFFFFDF80;
	s21 =	simm.s32 @!p0 $0x2;
	(pc) =	sbr.rel @p1 .LBB2_1-.Ltmp1, $4  }
0x4e: {  	[hbm:s7], [sflag:s6] =	dma.local @!p0 [spmem:s19], $0x2780  }
0x4f: {  	_ =	swait.ge @!p0 [sflag:s21], $0x2780  }
0x50: {  	[sflag:s21] =	ssyncset.done @!p0 $0x0  }
0x51: {  	[sflag:s21] =	ssyncadd.s32 @!p0 $0xFFFFD880  }
0x52: {  	_ =	sfence.sel $0x180000  }
0x53: {  	[bflag:$0x0] =	sbarrier.arrive $0xFFFF  }
0x54: {  	p0 =	sne.s32 s0, $0x0;
	_ =	strace $0x9000004A  }
0x55: {  	s0 =	sadd.s32 @!p0 $0x100000, s2;
	[bflag:$0x2] =	sbarrier.arrive $0xFFFF  }
0x56: {  	[sflag:s0] =	ssyncadd.tile.s32 @!p0 $0x1;
	_ =	shalt  }
.Lfunc_end2:
_tile_overlayer_lowered:
.L_overlay_start_2:
0x57: {  	(tag) =	ssettag $0x2  }
0x58: {  	s0 =	rddreg [dreg:$0x0];
	s2 =	stileid.u32  }
0x59: {  	s1 =	rddreg [dreg:$0x1];
	p0 =	sne.s32 s2, $0x0  }
0x5a: {  	s3 =	rddreg [dreg:$0x2];
	[bflag:$0x3] =	sbarrier.arrive $0xFFFF;
	s2 =	simm.s32 @!p0 $0x1C02  }
0x5b: {  	[timem:s3], [sflag:s2] =	dma.local @!p0 [hbm:s0], s1  }
0x5c: {  	s0 =	simm.s32 @!p0 $0x2  }
0x5d: {  	_ =	swait.ge @!p0 [sflag:s0], s1  }
0x5e: {  	s1 =	ssub.s32 @!p0 $0x0, s1;
	[sflag:s0] =	ssyncset.done @!p0 $0x0  }
0x5f: {  	[sflag:s0] =	ssyncadd.s32 @!p0 s1  }
0x60: {  	[bflag:$0x3] =	sbarrier.arrive $0xFFFF  }
0x61: {  	_ =	shalt  }

</sc_bundles>
